<compile_context>
chip_gen: v7x
topology: tpu7x:2x2x1
jax: 0.10.2.dev20260603
libtpu: 0.0.44.dev20260713+nightly
codegen_flags: <defaults>
</compile_context>

<pallas_src>
import functools
import math

import jax
import jax.numpy as jnp
from jax.experimental import pallas as pl
from jax.experimental.pallas import tpu as pltpu
from jax.experimental.pallas import tpu_sc as plsc

_T = 512
_NKP = 1024
_LANES = 16
_DKP = 128


def _qproj_kernel(hs_ref, wq_ref, keysp_ref, relp_ref, q_ref, scores_ref,
                  logrel_ref, qsum_scr, *, n_rows, nt, nk):
    i = pl.program_id(0)
    q = jax.lax.dot_general(
        hs_ref[...], wq_ref[...], (((1,), (1,)), ((), ())),
        preferred_element_type=jnp.float32)
    q_ref[...] = q

    @pl.when(i == 0)
    def _init():
        qsum_scr[...] = jnp.zeros_like(qsum_scr)

    qsum_scr[...] += jnp.sum(q, axis=0, keepdims=True)

    @pl.when(i == nt - 1)
    def _scores():
        sc = jax.lax.dot_general(
            qsum_scr[...], keysp_ref[...], (((1,), (1,)), ((), ())),
            preferred_element_type=jnp.float32) * (1.0 / n_rows)
        lane = jax.lax.broadcasted_iota(jnp.int32, (1, _NKP), 1)
        lr = jnp.where(lane < nk, jnp.log(jnp.clip(relp_ref[...], 1e-10)),
                       -1e30)
        logrel_ref[...] = lr
        scores_ref[...] = jnp.where(lane < nk, sc + lr, -1e30)


def _sc_route(scores_hbm, logrel_hbm, keys_hbm, values_hbm,
              ksel_hbm, vsel_hbm, relc_hbm,
              sc_v, lr_v, idx_v, ksel_v, vsel_v, relc_v, sem):
    cid = jax.lax.axis_index("c")
    sid = jax.lax.axis_index("s")

    @pl.when((cid == 0) & (sid == 0))
    def _body():
        pltpu.sync_copy(scores_hbm, sc_v)
        pltpu.sync_copy(logrel_hbm, lr_v)
        lanes = jax.lax.iota(jnp.int32, 16)
        ch = _NKP // _LANES
        idx_mat = jnp.zeros((16,), jnp.int32)
        idx_rel = jnp.full((16,), _NKP - 1, jnp.int32)
        for k in range(8):
            runmax = jax.lax.fori_loop(
                0, ch,
                lambda c, rm: jnp.maximum(rm, sc_v[pl.ds(c * 16, 16)]),
                jnp.full((16,), -3.0e38, jnp.float32))
            m = jnp.max(runmax)
            runidx = jax.lax.fori_loop(
                0, ch,
                lambda c, ri: jnp.minimum(
                    ri, jnp.where(sc_v[pl.ds(c * 16, 16)] == m,
                                  lanes + c * 16, _NKP)),
                jnp.full((16,), _NKP, jnp.int32))
            idx = jnp.min(runidx)
            sel = lanes == k
            idx_mat = jnp.where(sel, idx, idx_mat)
            idx_rel = jnp.where(sel, idx, idx_rel)

            def _mask(c, carry):
                sc_v[pl.ds(c * 16, 16)] = jnp.where(
                    lanes + c * 16 == idx, -3.0e38, sc_v[pl.ds(c * 16, 16)])
                return carry

            jax.lax.fori_loop(0, ch, _mask, 0)
        relc_v[...] = jnp.exp(plsc.load_gather(lr_v, [idx_rel]))
        idx_v[...] = idx_mat
        pltpu.async_copy(keys_hbm.at[idx_v], ksel_v, sem).wait()
        pltpu.async_copy(values_hbm.at[idx_v], vsel_v, sem).wait()
        pltpu.sync_copy(ksel_v, ksel_hbm)
        pltpu.sync_copy(vsel_v, vsel_hbm)
        pltpu.sync_copy(relc_v, relc_hbm)


def _attn_kernel(q_ref, ksel_ref, relc_ref, vsel_ref, wdown_ref, wup_ref,
                 out_ref, vd_scr, *, scale):
    i = pl.program_id(0)

    @pl.when(i == 0)
    def _vd():
        vd_scr[...] = jax.lax.dot_general(
            vsel_ref[...], wdown_ref[...], (((1,), (1,)), ((), ())),
            preferred_element_type=jnp.float32)

    relc = relc_ref[...]
    s = jax.lax.dot_general(
        q_ref[...], ksel_ref[...], (((1,), (1,)), ((), ())),
        preferred_element_type=jnp.float32) * scale
    s = jnp.where(relc > 0.0, s, -1e30)
    m = jnp.max(s, axis=-1, keepdims=True)
    e = jnp.exp(s - m) * relc
    denom = jnp.sum(e, axis=-1, keepdims=True)
    u = jax.lax.dot_general(
        e, vd_scr[...], (((1,), (0,)), ((), ())),
        preferred_element_type=jnp.float32)
    mid = u / denom
    g = mid * 0.5 * (1.0 + jax.lax.erf(mid * (1.0 / math.sqrt(2.0))))
    out_ref[...] = jax.lax.dot_general(
        g, wup_ref[...], (((1,), (1,)), ((), ())),
        preferred_element_type=jnp.float32)


def kernel(hidden_states, keys, values, reliability, Wq, Wdown, Wup):
    b, s, h = hidden_states.shape
    n = b * s
    nk, dk = keys.shape
    dv = Wdown.shape[0]
    hs = hidden_states.reshape(n, h)
    nt = n // _T
    wqp = jnp.pad(Wq, ((0, _DKP - dk), (0, 0)))
    keysp = jnp.pad(keys, ((0, _NKP - nk), (0, _DKP - dk)))
    keysw = jnp.pad(keys, ((0, 0), (0, _DKP - dk)))
    relp = jnp.pad(reliability, (0, _NKP - nk)).reshape(1, _NKP)

    q, scores, logrel = pl.pallas_call(
        functools.partial(_qproj_kernel, n_rows=n, nt=nt, nk=nk),
        grid=(nt,),
        in_specs=[
            pl.BlockSpec((_T, h), lambda i: (i, 0)),
            pl.BlockSpec((_DKP, h), lambda i: (0, 0)),
            pl.BlockSpec((_NKP, _DKP), lambda i: (0, 0)),
            pl.BlockSpec((1, _NKP), lambda i: (0, 0)),
        ],
        out_specs=[
            pl.BlockSpec((_T, _DKP), lambda i: (i, 0)),
            pl.BlockSpec((1, _NKP), lambda i: (0, 0)),
            pl.BlockSpec((1, _NKP), lambda i: (0, 0)),
        ],
        out_shape=[
            jax.ShapeDtypeStruct((n, _DKP), jnp.float32),
            jax.ShapeDtypeStruct((1, _NKP), jnp.float32),
            jax.ShapeDtypeStruct((1, _NKP), jnp.float32),
        ],
        scratch_shapes=[pltpu.VMEM((1, _DKP), jnp.float32)],
    )(hs, wqp, keysp, relp)

    ksel, vsel, relc = pl.kernel(
        _sc_route,
        out_type=[
            jax.ShapeDtypeStruct((_LANES, _DKP), jnp.float32),
            jax.ShapeDtypeStruct((_LANES, h), jnp.float32),
            jax.ShapeDtypeStruct((_LANES,), jnp.float32),
        ],
        mesh=plsc.VectorSubcoreMesh(core_axis_name="c", subcore_axis_name="s"),
        scratch_types=[
            pltpu.VMEM((_NKP,), jnp.float32),
            pltpu.VMEM((_NKP,), jnp.float32),
            pltpu.VMEM((_LANES,), jnp.int32),
            pltpu.VMEM((_LANES, _DKP), jnp.float32),
            pltpu.VMEM((_LANES, h), jnp.float32),
            pltpu.VMEM((_LANES,), jnp.float32),
            pltpu.SemaphoreType.DMA,
        ],
        compiler_params=pltpu.CompilerParams(needs_layout_passes=False),
    )(scores.reshape(_NKP), logrel.reshape(_NKP), keysw, values)

    out = pl.pallas_call(
        functools.partial(_attn_kernel, scale=1.0 / math.sqrt(dk)),
        grid=(nt,),
        in_specs=[
            pl.BlockSpec((_T, _DKP), lambda i: (i, 0)),
            pl.BlockSpec((_LANES, _DKP), lambda i: (0, 0)),
            pl.BlockSpec((1, _LANES), lambda i: (0, 0)),
            pl.BlockSpec((_LANES, h), lambda i: (0, 0)),
            pl.BlockSpec((dv, h), lambda i: (0, 0)),
            pl.BlockSpec((h, dv), lambda i: (0, 0)),
        ],
        out_specs=pl.BlockSpec((_T, h), lambda i: (i, 0)),
        out_shape=jax.ShapeDtypeStruct((n, h), jnp.float32),
        scratch_shapes=[pltpu.VMEM((_LANES, dv), jnp.float32)],
    )(q, ksel, relc.reshape(1, _LANES), vsel, Wdown, Wup)

    return out.reshape(b, s, h)

# --- scband reference (transcript-rebuilt; emitter-appended) ---
"""Pipeline reference for scband-bottleneck-injector-5205500363189 (READ-ONLY COPY).

The authoritative reference and input builder live on the scoring server;
editing this copy changes nothing except your own understanding.
"""

import math
import jax, jax.numpy as jnp
import numpy as np

B, S, H = 4, 2048, 4096
DK, DV, NA = 64, 256, 1000
TOP_K = 8


def setup_inputs(seed: int = 0) -> dict:
    key = jax.random.key(seed)
    ks = jax.random.split(key, 7)
    hidden_states = jax.random.normal(ks[0], (B, S, H), dtype=jnp.float32)
    keys = jax.random.normal(ks[1], (NA, DK), dtype=jnp.float32)
    values = jax.random.normal(ks[2], (NA, H), dtype=jnp.float32)
    reliability = jax.random.uniform(ks[3], (NA,), dtype=jnp.float32)
    # q_proj: default Linear init (uniform +/- 1/sqrt(fan_in))
    lim_q = 1.0 / math.sqrt(H)
    Wq = jax.random.uniform(ks[4], (DK, H), dtype=jnp.float32, minval=-lim_q, maxval=lim_q)
    # value_down / value_up: xavier_uniform with gain=0.1
    lim_v = 0.1 * math.sqrt(6.0 / (H + DV))
    Wdown = jax.random.uniform(ks[5], (DV, H), dtype=jnp.float32, minval=-lim_v, maxval=lim_v)
    Wup = jax.random.uniform(ks[6], (H, DV), dtype=jnp.float32, minval=-lim_v, maxval=lim_v)
    return {"hidden_states": hidden_states, "keys": keys, "values": values,
            "reliability": reliability, "Wq": Wq, "Wdown": Wdown, "Wup": Wup}


def reference(hidden_states, keys, values, reliability, Wq, Wdown, Wup):
    bottleneck_dim = Wq.shape[0]
    num_active = keys.shape[0]
    # query projection
    query = jnp.einsum('bsh,kh->bsk', hidden_states, Wq)
    # top-k routing over knowledge slots
    if num_active > TOP_K:
        avg_query = query.mean(axis=(0, 1))
        route_scores = keys @ avg_query + jnp.log(jnp.clip(reliability, 1e-10))
        _, top_idx = jax.lax.top_k(route_scores, TOP_K)
        keys = jnp.take(keys, top_idx, axis=0)
        values = jnp.take(values, top_idx, axis=0)
        reliability = jnp.take(reliability, top_idx, axis=0)
    scale = math.sqrt(bottleneck_dim)
    scores = jnp.einsum('bsk,nk->bsn', query, keys) / scale
    reliability_bias = jnp.log(jnp.clip(reliability, 1e-10))
    scores = scores + reliability_bias[None, None, :]
    attn_weights = jax.nn.softmax(scores, axis=-1)
    aux_output = jnp.einsum('bsn,nh->bsh', attn_weights, values)
    # value projection (delta subspace)
    aux_output = jnp.einsum('bsh,vh->bsv', aux_output, Wdown)
    aux_output = jax.nn.gelu(aux_output, approximate=False)
    aux_output = jnp.einsum('bsv,hv->bsh', aux_output, Wup)
    return aux_output

if __name__ == "__main__":
    import jax
    _d = setup_inputs()
    print(jax.jit(kernel)(*tuple(_d.values())))

</pallas_src>

<mosaic_0001>
#map = affine_map<(d0, d1) -> (0)>
#map1 = affine_map<(d0, d1) -> (0, 0)>
module attributes {stable_mosaic.version = 14 : i64} {
  func.func @_sc_route(%arg0: i32, %arg1: i32, %arg2: memref<1024xf32, #tpu.memory_space<hbm>>, %arg3: memref<1024xf32, #tpu.memory_space<hbm>>, %arg4: memref<1000x128xf32, #tpu.memory_space<hbm>>, %arg5: memref<1000x4096xf32, #tpu.memory_space<hbm>>, %arg6: memref<16x128xf32, #tpu.memory_space<hbm>>, %arg7: memref<16x4096xf32, #tpu.memory_space<hbm>>, %arg8: memref<16xf32, #tpu.memory_space<hbm>>, %arg9: memref<1024xf32, #tpu.memory_space<vmem>>, %arg10: memref<1024xf32, #tpu.memory_space<vmem>>, %arg11: memref<16xi32, #tpu.memory_space<vmem>>, %arg12: memref<16x128xf32, #tpu.memory_space<vmem>>, %arg13: memref<16x4096xf32, #tpu.memory_space<vmem>>, %arg14: memref<16xf32, #tpu.memory_space<vmem>>, %arg15: memref<!tpu.dma_semaphore, #tpu.memory_space<semaphore_mem>>) attributes {dimension_semantics = [#tpu.dimension_semantics<core_parallel>, #tpu.dimension_semantics<subcore_parallel>], iteration_bounds = array<i64: 2, 16>, scalar_prefetch = 0 : i64, scratch_operands = 7 : i64, tpu.core_type = #tpu.core_type<sc_vector_subcore>, window_params = [{transform_indices = #map}, {transform_indices = #map}, {transform_indices = #map1}, {transform_indices = #map1}, {transform_indices = #map1}, {transform_indices = #map1}, {transform_indices = #map}]} {
    %eq3A = arith.constant 0 : i32
    %eq3A_0 = arith.cmpi eq, %arg0, %eq3A : i32
    %eq3A_1 = arith.constant 0 : i32
    %eq3A_2 = arith.cmpi eq, %arg1, %eq3A_1 : i32
    %and3A = arith.andi %eq3A_0, %eq3A_2 : i1
    %convert_element_type3A = arith.extui %and3A : i1 to i32
    %cond3A = arith.constant 0 : i32
    %cond3A_3 = arith.cmpi ne, %convert_element_type3A, %cond3A : i32
    scf.if %cond3A_3 {
      "tpu.region"() ({
        %run_scoped3A = tpu.sem_alloc : memref<!tpu.dma_semaphore, #tpu.memory_space<semaphore_mem>>
        tpu.enqueue_dma source(%arg2 : memref<1024xf32, #tpu.memory_space<hbm>>) target(%arg9 : memref<1024xf32, #tpu.memory_space<vmem>>) target_semaphore(%run_scoped3A : memref<!tpu.dma_semaphore, #tpu.memory_space<semaphore_mem>>)
        tpu.wait_dma2 semaphore(%run_scoped3A : memref<!tpu.dma_semaphore, #tpu.memory_space<semaphore_mem>>) src(%arg2 : memref<1024xf32, #tpu.memory_space<hbm>>) dst(%arg9 : memref<1024xf32, #tpu.memory_space<vmem>>)
        tpu.yield
      }) : () -> ()
      "tpu.region"() ({
        %run_scoped3A = tpu.sem_alloc : memref<!tpu.dma_semaphore, #tpu.memory_space<semaphore_mem>>
        tpu.enqueue_dma source(%arg3 : memref<1024xf32, #tpu.memory_space<hbm>>) target(%arg10 : memref<1024xf32, #tpu.memory_space<vmem>>) target_semaphore(%run_scoped3A : memref<!tpu.dma_semaphore, #tpu.memory_space<semaphore_mem>>)
        tpu.wait_dma2 semaphore(%run_scoped3A : memref<!tpu.dma_semaphore, #tpu.memory_space<semaphore_mem>>) src(%arg3 : memref<1024xf32, #tpu.memory_space<hbm>>) dst(%arg10 : memref<1024xf32, #tpu.memory_space<vmem>>)
        tpu.yield
      }) : () -> ()
      %iota3A = tpu.iota {dimensions = array<i32: 0>} : vector<16xi32>
      %broadcast_in_dim3A = arith.constant 0 : i32
      %broadcast_in_dim3A_4 = vector.broadcast %broadcast_in_dim3A : i32 to vector<16xi32>
      %broadcast_in_dim3A_5 = arith.constant 1023 : i32
      %broadcast_in_dim3A_6 = vector.broadcast %broadcast_in_dim3A_5 : i32 to vector<16xi32>
      %broadcast_in_dim3A_7 = arith.constant -3.000000e+38 : f32
      %broadcast_in_dim3A_8 = vector.broadcast %broadcast_in_dim3A_7 : f32 to vector<16xf32>
      %scan3A = arith.constant 0 : i32
      %scan3A_9 = arith.constant 64 : i32
      %scan3A_10 = arith.addi %scan3A, %scan3A_9 : i32
      %scan3A_11 = arith.constant 1 : i32
      %scan3A_12 = scf.for %scan3A_344 = %scan3A to %scan3A_10 step %scan3A_11 iter_args(%scan3A_345 = %broadcast_in_dim3A_8) -> (vector<16xf32>)  : i32 {
        %mul3A = arith.constant 16 : i32
        %mul3A_346 = arith.muli %scan3A_344, %mul3A : i32
        %get3A = arith.index_cast %mul3A_346 : i32 to index
        %get3A_347 = tpu.vector_load %arg9[%get3A] {strides = array<i32>} : memref<1024xf32, #tpu.memory_space<vmem>>, vector<16xf32>,
        %max3A = arith.maximumf %scan3A_345, %get3A_347 : vector<16xf32>
        scf.yield %max3A : vector<16xf32>
      }
      %scan3A_13 = arith.constant 64 : i32
      %reduce_max3A = arith.constant true
      %reduce_max3A_14 = vector.broadcast %reduce_max3A : i1 to vector<16xi1>
      %reduce_max3A_15 = tpu.scan <max>, %scan3A_12 masked %reduce_max3A_14 : vector<16xf32>, vector<16xi1> -> vector<16xf32>
      %reduce_max3A_16 = vector.extract %reduce_max3A_15[15] : f32 from vector<16xf32>
      %broadcast_in_dim3A_17 = arith.constant 1024 : i32
      %broadcast_in_dim3A_18 = vector.broadcast %broadcast_in_dim3A_17 : i32 to vector<16xi32>
      %scan3A_19 = arith.constant 0 : i32
      %scan3A_20 = arith.constant 64 : i32
      %scan3A_21 = arith.addi %scan3A_19, %scan3A_20 : i32
      %scan3A_22 = arith.constant 1 : i32
      %scan3A_23 = scf.for %scan3A_344 = %scan3A_19 to %scan3A_21 step %scan3A_22 iter_args(%scan3A_345 = %broadcast_in_dim3A_18) -> (vector<16xi32>)  : i32 {
        %mul3A = arith.constant 16 : i32
        %mul3A_346 = arith.muli %scan3A_344, %mul3A : i32
        %get3A = arith.index_cast %mul3A_346 : i32 to index
        %get3A_347 = tpu.vector_load %arg9[%get3A] {strides = array<i32>} : memref<1024xf32, #tpu.memory_space<vmem>>, vector<16xf32>,
        %eq3A_348 = vector.broadcast %reduce_max3A_16 : f32 to vector<16xf32>
        %eq3A_349 = arith.cmpf oeq, %get3A_347, %eq3A_348 : vector<16xf32>
        %mul3A_350 = arith.constant 16 : i32
        %mul3A_351 = arith.muli %scan3A_344, %mul3A_350 : i32
        %add3A = vector.broadcast %mul3A_351 : i32 to vector<16xi32>
        %add3A_352 = arith.addi %iota3A, %add3A : vector<16xi32>
        %jit3A = arith.constant 1024 : i32
        %broadcast_in_dim3A_353 = vector.broadcast %jit3A : i32 to vector<16xi32>
        %select_n3A_354 = arith.select %eq3A_349, %add3A_352, %broadcast_in_dim3A_353 : vector<16xi1>, vector<16xi32>
        %min3A = arith.minsi %scan3A_345, %select_n3A_354 : vector<16xi32>
        scf.yield %min3A : vector<16xi32>
      }
      %scan3A_24 = arith.constant 64 : i32
      %reduce_min3A = arith.constant true
      %reduce_min3A_25 = vector.broadcast %reduce_min3A : i1 to vector<16xi1>
      %reduce_min3A_26 = arith.constant -2147483648 : i32
      %reduce_min3A_27 = vector.broadcast %reduce_min3A_26 : i32 to vector<16xi32>
      %reduce_min3A_28 = arith.xori %scan3A_23, %reduce_min3A_27 : vector<16xi32>
      %reduce_min3A_29 = tpu.scan <min>, %reduce_min3A_28 masked %reduce_min3A_25 : vector<16xi32>, vector<16xi1> -> vector<16xi32>
      %reduce_min3A_30 = arith.xori %reduce_min3A_29, %reduce_min3A_27 : vector<16xi32>
      %reduce_min3A_31 = vector.extract %reduce_min3A_30[15] : i32 from vector<16xi32>
      %eq3A_32 = arith.constant 0 : i32
      %eq3A_33 = vector.broadcast %eq3A_32 : i32 to vector<16xi32>
      %eq3A_34 = arith.cmpi eq, %iota3A, %eq3A_33 : vector<16xi32>
      %broadcast_in_dim3A_35 = vector.broadcast %reduce_min3A_31 : i32 to vector<16xi32>
      %select_n3A = arith.select %eq3A_34, %broadcast_in_dim3A_35, %broadcast_in_dim3A_4 : vector<16xi1>, vector<16xi32>
      %broadcast_in_dim3A_36 = vector.broadcast %reduce_min3A_31 : i32 to vector<16xi32>
      %select_n3A_37 = arith.select %eq3A_34, %broadcast_in_dim3A_36, %broadcast_in_dim3A_6 : vector<16xi1>, vector<16xi32>
      %scan3A_38 = arith.constant 0 : i32
      %scan3A_39 = arith.constant 0 : i32
      %scan3A_40 = arith.constant 64 : i32
      %scan3A_41 = arith.addi %scan3A_39, %scan3A_40 : i32
      %scan3A_42 = arith.constant 1 : i32
      scf.for %scan3A_344 = %scan3A_39 to %scan3A_41 step %scan3A_42  : i32 {
        %mul3A = arith.constant 16 : i32
        %mul3A_345 = arith.muli %scan3A_344, %mul3A : i32
        %add3A = vector.broadcast %mul3A_345 : i32 to vector<16xi32>
        %add3A_346 = arith.addi %iota3A, %add3A : vector<16xi32>
        %eq3A_347 = vector.broadcast %reduce_min3A_31 : i32 to vector<16xi32>
        %eq3A_348 = arith.cmpi eq, %add3A_346, %eq3A_347 : vector<16xi32>
        %mul3A_349 = arith.constant 16 : i32
        %mul3A_350 = arith.muli %scan3A_344, %mul3A_349 : i32
        %get3A = arith.index_cast %mul3A_350 : i32 to index
        %get3A_351 = tpu.vector_load %arg9[%get3A] {strides = array<i32>} : memref<1024xf32, #tpu.memory_space<vmem>>, vector<16xf32>,
        %jit3A = arith.constant -3.000000e+38 : f32
        %broadcast_in_dim3A_352 = vector.broadcast %jit3A : f32 to vector<16xf32>
        %select_n3A_353 = arith.select %eq3A_348, %broadcast_in_dim3A_352, %get3A_351 : vector<16xi1>, vector<16xf32>
        %mul3A_354 = arith.constant 16 : i32
        %mul3A_355 = arith.muli %scan3A_344, %mul3A_354 : i32
        %swap3A_356 = arith.index_cast %mul3A_355 : i32 to index
        %swap3A_357 = tpu.vector_load %arg9[%swap3A_356] {strides = array<i32>} : memref<1024xf32, #tpu.memory_space<vmem>>, vector<16xf32>,
        tpu.vector_store %arg9[%swap3A_356], %select_n3A_353 {strides = array<i32>} : memref<1024xf32, #tpu.memory_space<vmem>>, vector<16xf32>,
      }
      %scan3A_43 = arith.constant 64 : i32
      %broadcast_in_dim3A_44 = arith.constant -3.000000e+38 : f32
      %broadcast_in_dim3A_45 = vector.broadcast %broadcast_in_dim3A_44 : f32 to vector<16xf32>
      %scan3A_46 = arith.constant 0 : i32
      %scan3A_47 = arith.constant 64 : i32
      %scan3A_48 = arith.addi %scan3A_46, %scan3A_47 : i32
      %scan3A_49 = arith.constant 1 : i32
      %scan3A_50 = scf.for %scan3A_344 = %scan3A_46 to %scan3A_48 step %scan3A_49 iter_args(%scan3A_345 = %broadcast_in_dim3A_45) -> (vector<16xf32>)  : i32 {
        %mul3A = arith.constant 16 : i32
        %mul3A_346 = arith.muli %scan3A_344, %mul3A : i32
        %get3A = arith.index_cast %mul3A_346 : i32 to index
        %get3A_347 = tpu.vector_load %arg9[%get3A] {strides = array<i32>} : memref<1024xf32, #tpu.memory_space<vmem>>, vector<16xf32>,
        %max3A = arith.maximumf %scan3A_345, %get3A_347 : vector<16xf32>
        scf.yield %max3A : vector<16xf32>
      }
      %scan3A_51 = arith.constant 64 : i32
      %reduce_max3A_52 = arith.constant true
      %reduce_max3A_53 = vector.broadcast %reduce_max3A_52 : i1 to vector<16xi1>
      %reduce_max3A_54 = tpu.scan <max>, %scan3A_50 masked %reduce_max3A_53 : vector<16xf32>, vector<16xi1> -> vector<16xf32>
      %reduce_max3A_55 = vector.extract %reduce_max3A_54[15] : f32 from vector<16xf32>
      %broadcast_in_dim3A_56 = arith.constant 1024 : i32
      %broadcast_in_dim3A_57 = vector.broadcast %broadcast_in_dim3A_56 : i32 to vector<16xi32>
      %scan3A_58 = arith.constant 0 : i32
      %scan3A_59 = arith.constant 64 : i32
      %scan3A_60 = arith.addi %scan3A_58, %scan3A_59 : i32
      %scan3A_61 = arith.constant 1 : i32
      %scan3A_62 = scf.for %scan3A_344 = %scan3A_58 to %scan3A_60 step %scan3A_61 iter_args(%scan3A_345 = %broadcast_in_dim3A_57) -> (vector<16xi32>)  : i32 {
        %mul3A = arith.constant 16 : i32
        %mul3A_346 = arith.muli %scan3A_344, %mul3A : i32
        %get3A = arith.index_cast %mul3A_346 : i32 to index
        %get3A_347 = tpu.vector_load %arg9[%get3A] {strides = array<i32>} : memref<1024xf32, #tpu.memory_space<vmem>>, vector<16xf32>,
        %eq3A_348 = vector.broadcast %reduce_max3A_55 : f32 to vector<16xf32>
        %eq3A_349 = arith.cmpf oeq, %get3A_347, %eq3A_348 : vector<16xf32>
        %mul3A_350 = arith.constant 16 : i32
        %mul3A_351 = arith.muli %scan3A_344, %mul3A_350 : i32
        %add3A = vector.broadcast %mul3A_351 : i32 to vector<16xi32>
        %add3A_352 = arith.addi %iota3A, %add3A : vector<16xi32>
        %jit3A = arith.constant 1024 : i32
        %broadcast_in_dim3A_353 = vector.broadcast %jit3A : i32 to vector<16xi32>
        %select_n3A_354 = arith.select %eq3A_349, %add3A_352, %broadcast_in_dim3A_353 : vector<16xi1>, vector<16xi32>
        %min3A = arith.minsi %scan3A_345, %select_n3A_354 : vector<16xi32>
        scf.yield %min3A : vector<16xi32>
      }
      %scan3A_63 = arith.constant 64 : i32
      %reduce_min3A_64 = arith.constant true
      %reduce_min3A_65 = vector.broadcast %reduce_min3A_64 : i1 to vector<16xi1>
      %reduce_min3A_66 = arith.constant -2147483648 : i32
      %reduce_min3A_67 = vector.broadcast %reduce_min3A_66 : i32 to vector<16xi32>
      %reduce_min3A_68 = arith.xori %scan3A_62, %reduce_min3A_67 : vector<16xi32>
      %reduce_min3A_69 = tpu.scan <min>, %reduce_min3A_68 masked %reduce_min3A_65 : vector<16xi32>, vector<16xi1> -> vector<16xi32>
      %reduce_min3A_70 = arith.xori %reduce_min3A_69, %reduce_min3A_67 : vector<16xi32>
      %reduce_min3A_71 = vector.extract %reduce_min3A_70[15] : i32 from vector<16xi32>
      %eq3A_72 = arith.constant 1 : i32
      %eq3A_73 = vector.broadcast %eq3A_72 : i32 to vector<16xi32>
      %eq3A_74 = arith.cmpi eq, %iota3A, %eq3A_73 : vector<16xi32>
      %broadcast_in_dim3A_75 = vector.broadcast %reduce_min3A_71 : i32 to vector<16xi32>
      %select_n3A_76 = arith.select %eq3A_74, %broadcast_in_dim3A_75, %select_n3A : vector<16xi1>, vector<16xi32>
      %broadcast_in_dim3A_77 = vector.broadcast %reduce_min3A_71 : i32 to vector<16xi32>
      %select_n3A_78 = arith.select %eq3A_74, %broadcast_in_dim3A_77, %select_n3A_37 : vector<16xi1>, vector<16xi32>
      %scan3A_79 = arith.constant 0 : i32
      %scan3A_80 = arith.constant 0 : i32
      %scan3A_81 = arith.constant 64 : i32
      %scan3A_82 = arith.addi %scan3A_80, %scan3A_81 : i32
      %scan3A_83 = arith.constant 1 : i32
      scf.for %scan3A_344 = %scan3A_80 to %scan3A_82 step %scan3A_83  : i32 {
        %mul3A = arith.constant 16 : i32
        %mul3A_345 = arith.muli %scan3A_344, %mul3A : i32
        %add3A = vector.broadcast %mul3A_345 : i32 to vector<16xi32>
        %add3A_346 = arith.addi %iota3A, %add3A : vector<16xi32>
        %eq3A_347 = vector.broadcast %reduce_min3A_71 : i32 to vector<16xi32>
        %eq3A_348 = arith.cmpi eq, %add3A_346, %eq3A_347 : vector<16xi32>
        %mul3A_349 = arith.constant 16 : i32
        %mul3A_350 = arith.muli %scan3A_344, %mul3A_349 : i32
        %get3A = arith.index_cast %mul3A_350 : i32 to index
        %get3A_351 = tpu.vector_load %arg9[%get3A] {strides = array<i32>} : memref<1024xf32, #tpu.memory_space<vmem>>, vector<16xf32>,
        %jit3A = arith.constant -3.000000e+38 : f32
        %broadcast_in_dim3A_352 = vector.broadcast %jit3A : f32 to vector<16xf32>
        %select_n3A_353 = arith.select %eq3A_348, %broadcast_in_dim3A_352, %get3A_351 : vector<16xi1>, vector<16xf32>
        %mul3A_354 = arith.constant 16 : i32
        %mul3A_355 = arith.muli %scan3A_344, %mul3A_354 : i32
        %swap3A_356 = arith.index_cast %mul3A_355 : i32 to index
        %swap3A_357 = tpu.vector_load %arg9[%swap3A_356] {strides = array<i32>} : memref<1024xf32, #tpu.memory_space<vmem>>, vector<16xf32>,
        tpu.vector_store %arg9[%swap3A_356], %select_n3A_353 {strides = array<i32>} : memref<1024xf32, #tpu.memory_space<vmem>>, vector<16xf32>,
      }
      %scan3A_84 = arith.constant 64 : i32
      %broadcast_in_dim3A_85 = arith.constant -3.000000e+38 : f32
      %broadcast_in_dim3A_86 = vector.broadcast %broadcast_in_dim3A_85 : f32 to vector<16xf32>
      %scan3A_87 = arith.constant 0 : i32
      %scan3A_88 = arith.constant 64 : i32
      %scan3A_89 = arith.addi %scan3A_87, %scan3A_88 : i32
      %scan3A_90 = arith.constant 1 : i32
      %scan3A_91 = scf.for %scan3A_344 = %scan3A_87 to %scan3A_89 step %scan3A_90 iter_args(%scan3A_345 = %broadcast_in_dim3A_86) -> (vector<16xf32>)  : i32 {
        %mul3A = arith.constant 16 : i32
        %mul3A_346 = arith.muli %scan3A_344, %mul3A : i32
        %get3A = arith.index_cast %mul3A_346 : i32 to index
        %get3A_347 = tpu.vector_load %arg9[%get3A] {strides = array<i32>} : memref<1024xf32, #tpu.memory_space<vmem>>, vector<16xf32>,
        %max3A = arith.maximumf %scan3A_345, %get3A_347 : vector<16xf32>
        scf.yield %max3A : vector<16xf32>
      }
      %scan3A_92 = arith.constant 64 : i32
      %reduce_max3A_93 = arith.constant true
      %reduce_max3A_94 = vector.broadcast %reduce_max3A_93 : i1 to vector<16xi1>
      %reduce_max3A_95 = tpu.scan <max>, %scan3A_91 masked %reduce_max3A_94 : vector<16xf32>, vector<16xi1> -> vector<16xf32>
      %reduce_max3A_96 = vector.extract %reduce_max3A_95[15] : f32 from vector<16xf32>
      %broadcast_in_dim3A_97 = arith.constant 1024 : i32
      %broadcast_in_dim3A_98 = vector.broadcast %broadcast_in_dim3A_97 : i32 to vector<16xi32>
      %scan3A_99 = arith.constant 0 : i32
      %scan3A_100 = arith.constant 64 : i32
      %scan3A_101 = arith.addi %scan3A_99, %scan3A_100 : i32
      %scan3A_102 = arith.constant 1 : i32
      %scan3A_103 = scf.for %scan3A_344 = %scan3A_99 to %scan3A_101 step %scan3A_102 iter_args(%scan3A_345 = %broadcast_in_dim3A_98) -> (vector<16xi32>)  : i32 {
        %mul3A = arith.constant 16 : i32
        %mul3A_346 = arith.muli %scan3A_344, %mul3A : i32
        %get3A = arith.index_cast %mul3A_346 : i32 to index
        %get3A_347 = tpu.vector_load %arg9[%get3A] {strides = array<i32>} : memref<1024xf32, #tpu.memory_space<vmem>>, vector<16xf32>,
        %eq3A_348 = vector.broadcast %reduce_max3A_96 : f32 to vector<16xf32>
        %eq3A_349 = arith.cmpf oeq, %get3A_347, %eq3A_348 : vector<16xf32>
        %mul3A_350 = arith.constant 16 : i32
        %mul3A_351 = arith.muli %scan3A_344, %mul3A_350 : i32
        %add3A = vector.broadcast %mul3A_351 : i32 to vector<16xi32>
        %add3A_352 = arith.addi %iota3A, %add3A : vector<16xi32>
        %jit3A = arith.constant 1024 : i32
        %broadcast_in_dim3A_353 = vector.broadcast %jit3A : i32 to vector<16xi32>
        %select_n3A_354 = arith.select %eq3A_349, %add3A_352, %broadcast_in_dim3A_353 : vector<16xi1>, vector<16xi32>
        %min3A = arith.minsi %scan3A_345, %select_n3A_354 : vector<16xi32>
        scf.yield %min3A : vector<16xi32>
      }
      %scan3A_104 = arith.constant 64 : i32
      %reduce_min3A_105 = arith.constant true
      %reduce_min3A_106 = vector.broadcast %reduce_min3A_105 : i1 to vector<16xi1>
      %reduce_min3A_107 = arith.constant -2147483648 : i32
      %reduce_min3A_108 = vector.broadcast %reduce_min3A_107 : i32 to vector<16xi32>
      %reduce_min3A_109 = arith.xori %scan3A_103, %reduce_min3A_108 : vector<16xi32>
      %reduce_min3A_110 = tpu.scan <min>, %reduce_min3A_109 masked %reduce_min3A_106 : vector<16xi32>, vector<16xi1> -> vector<16xi32>
      %reduce_min3A_111 = arith.xori %reduce_min3A_110, %reduce_min3A_108 : vector<16xi32>
      %reduce_min3A_112 = vector.extract %reduce_min3A_111[15] : i32 from vector<16xi32>
      %eq3A_113 = arith.constant 2 : i32
      %eq3A_114 = vector.broadcast %eq3A_113 : i32 to vector<16xi32>
      %eq3A_115 = arith.cmpi eq, %iota3A, %eq3A_114 : vector<16xi32>
      %broadcast_in_dim3A_116 = vector.broadcast %reduce_min3A_112 : i32 to vector<16xi32>
      %select_n3A_117 = arith.select %eq3A_115, %broadcast_in_dim3A_116, %select_n3A_76 : vector<16xi1>, vector<16xi32>
      %broadcast_in_dim3A_118 = vector.broadcast %reduce_min3A_112 : i32 to vector<16xi32>
      %select_n3A_119 = arith.select %eq3A_115, %broadcast_in_dim3A_118, %select_n3A_78 : vector<16xi1>, vector<16xi32>
      %scan3A_120 = arith.constant 0 : i32
      %scan3A_121 = arith.constant 0 : i32
      %scan3A_122 = arith.constant 64 : i32
      %scan3A_123 = arith.addi %scan3A_121, %scan3A_122 : i32
      %scan3A_124 = arith.constant 1 : i32
      scf.for %scan3A_344 = %scan3A_121 to %scan3A_123 step %scan3A_124  : i32 {
        %mul3A = arith.constant 16 : i32
        %mul3A_345 = arith.muli %scan3A_344, %mul3A : i32
        %add3A = vector.broadcast %mul3A_345 : i32 to vector<16xi32>
        %add3A_346 = arith.addi %iota3A, %add3A : vector<16xi32>
        %eq3A_347 = vector.broadcast %reduce_min3A_112 : i32 to vector<16xi32>
        %eq3A_348 = arith.cmpi eq, %add3A_346, %eq3A_347 : vector<16xi32>
        %mul3A_349 = arith.constant 16 : i32
        %mul3A_350 = arith.muli %scan3A_344, %mul3A_349 : i32
        %get3A = arith.index_cast %mul3A_350 : i32 to index
        %get3A_351 = tpu.vector_load %arg9[%get3A] {strides = array<i32>} : memref<1024xf32, #tpu.memory_space<vmem>>, vector<16xf32>,
        %jit3A = arith.constant -3.000000e+38 : f32
        %broadcast_in_dim3A_352 = vector.broadcast %jit3A : f32 to vector<16xf32>
        %select_n3A_353 = arith.select %eq3A_348, %broadcast_in_dim3A_352, %get3A_351 : vector<16xi1>, vector<16xf32>
        %mul3A_354 = arith.constant 16 : i32
        %mul3A_355 = arith.muli %scan3A_344, %mul3A_354 : i32
        %swap3A_356 = arith.index_cast %mul3A_355 : i32 to index
        %swap3A_357 = tpu.vector_load %arg9[%swap3A_356] {strides = array<i32>} : memref<1024xf32, #tpu.memory_space<vmem>>, vector<16xf32>,
        tpu.vector_store %arg9[%swap3A_356], %select_n3A_353 {strides = array<i32>} : memref<1024xf32, #tpu.memory_space<vmem>>, vector<16xf32>,
      }
      %scan3A_125 = arith.constant 64 : i32
      %broadcast_in_dim3A_126 = arith.constant -3.000000e+38 : f32
      %broadcast_in_dim3A_127 = vector.broadcast %broadcast_in_dim3A_126 : f32 to vector<16xf32>
      %scan3A_128 = arith.constant 0 : i32
      %scan3A_129 = arith.constant 64 : i32
      %scan3A_130 = arith.addi %scan3A_128, %scan3A_129 : i32
      %scan3A_131 = arith.constant 1 : i32
      %scan3A_132 = scf.for %scan3A_344 = %scan3A_128 to %scan3A_130 step %scan3A_131 iter_args(%scan3A_345 = %broadcast_in_dim3A_127) -> (vector<16xf32>)  : i32 {
        %mul3A = arith.constant 16 : i32
        %mul3A_346 = arith.muli %scan3A_344, %mul3A : i32
        %get3A = arith.index_cast %mul3A_346 : i32 to index
        %get3A_347 = tpu.vector_load %arg9[%get3A] {strides = array<i32>} : memref<1024xf32, #tpu.memory_space<vmem>>, vector<16xf32>,
        %max3A = arith.maximumf %scan3A_345, %get3A_347 : vector<16xf32>
        scf.yield %max3A : vector<16xf32>
      }
      %scan3A_133 = arith.constant 64 : i32
      %reduce_max3A_134 = arith.constant true
      %reduce_max3A_135 = vector.broadcast %reduce_max3A_134 : i1 to vector<16xi1>
      %reduce_max3A_136 = tpu.scan <max>, %scan3A_132 masked %reduce_max3A_135 : vector<16xf32>, vector<16xi1> -> vector<16xf32>
      %reduce_max3A_137 = vector.extract %reduce_max3A_136[15] : f32 from vector<16xf32>
      %broadcast_in_dim3A_138 = arith.constant 1024 : i32
      %broadcast_in_dim3A_139 = vector.broadcast %broadcast_in_dim3A_138 : i32 to vector<16xi32>
      %scan3A_140 = arith.constant 0 : i32
      %scan3A_141 = arith.constant 64 : i32
      %scan3A_142 = arith.addi %scan3A_140, %scan3A_141 : i32
      %scan3A_143 = arith.constant 1 : i32
      %scan3A_144 = scf.for %scan3A_344 = %scan3A_140 to %scan3A_142 step %scan3A_143 iter_args(%scan3A_345 = %broadcast_in_dim3A_139) -> (vector<16xi32>)  : i32 {
        %mul3A = arith.constant 16 : i32
        %mul3A_346 = arith.muli %scan3A_344, %mul3A : i32
        %get3A = arith.index_cast %mul3A_346 : i32 to index
        %get3A_347 = tpu.vector_load %arg9[%get3A] {strides = array<i32>} : memref<1024xf32, #tpu.memory_space<vmem>>, vector<16xf32>,
        %eq3A_348 = vector.broadcast %reduce_max3A_137 : f32 to vector<16xf32>
        %eq3A_349 = arith.cmpf oeq, %get3A_347, %eq3A_348 : vector<16xf32>
        %mul3A_350 = arith.constant 16 : i32
        %mul3A_351 = arith.muli %scan3A_344, %mul3A_350 : i32
        %add3A = vector.broadcast %mul3A_351 : i32 to vector<16xi32>
        %add3A_352 = arith.addi %iota3A, %add3A : vector<16xi32>
        %jit3A = arith.constant 1024 : i32
        %broadcast_in_dim3A_353 = vector.broadcast %jit3A : i32 to vector<16xi32>
        %select_n3A_354 = arith.select %eq3A_349, %add3A_352, %broadcast_in_dim3A_353 : vector<16xi1>, vector<16xi32>
        %min3A = arith.minsi %scan3A_345, %select_n3A_354 : vector<16xi32>
        scf.yield %min3A : vector<16xi32>
      }
      %scan3A_145 = arith.constant 64 : i32
      %reduce_min3A_146 = arith.constant true
      %reduce_min3A_147 = vector.broadcast %reduce_min3A_146 : i1 to vector<16xi1>
      %reduce_min3A_148 = arith.constant -2147483648 : i32
      %reduce_min3A_149 = vector.broadcast %reduce_min3A_148 : i32 to vector<16xi32>
      %reduce_min3A_150 = arith.xori %scan3A_144, %reduce_min3A_149 : vector<16xi32>
      %reduce_min3A_151 = tpu.scan <min>, %reduce_min3A_150 masked %reduce_min3A_147 : vector<16xi32>, vector<16xi1> -> vector<16xi32>
      %reduce_min3A_152 = arith.xori %reduce_min3A_151, %reduce_min3A_149 : vector<16xi32>
      %reduce_min3A_153 = vector.extract %reduce_min3A_152[15] : i32 from vector<16xi32>
      %eq3A_154 = arith.constant 3 : i32
      %eq3A_155 = vector.broadcast %eq3A_154 : i32 to vector<16xi32>
      %eq3A_156 = arith.cmpi eq, %iota3A, %eq3A_155 : vector<16xi32>
      %broadcast_in_dim3A_157 = vector.broadcast %reduce_min3A_153 : i32 to vector<16xi32>
      %select_n3A_158 = arith.select %eq3A_156, %broadcast_in_dim3A_157, %select_n3A_117 : vector<16xi1>, vector<16xi32>
      %broadcast_in_dim3A_159 = vector.broadcast %reduce_min3A_153 : i32 to vector<16xi32>
      %select_n3A_160 = arith.select %eq3A_156, %broadcast_in_dim3A_159, %select_n3A_119 : vector<16xi1>, vector<16xi32>
      %scan3A_161 = arith.constant 0 : i32
      %scan3A_162 = arith.constant 0 : i32
      %scan3A_163 = arith.constant 64 : i32
      %scan3A_164 = arith.addi %scan3A_162, %scan3A_163 : i32
      %scan3A_165 = arith.constant 1 : i32
      scf.for %scan3A_344 = %scan3A_162 to %scan3A_164 step %scan3A_165  : i32 {
        %mul3A = arith.constant 16 : i32
        %mul3A_345 = arith.muli %scan3A_344, %mul3A : i32
        %add3A = vector.broadcast %mul3A_345 : i32 to vector<16xi32>
        %add3A_346 = arith.addi %iota3A, %add3A : vector<16xi32>
        %eq3A_347 = vector.broadcast %reduce_min3A_153 : i32 to vector<16xi32>
        %eq3A_348 = arith.cmpi eq, %add3A_346, %eq3A_347 : vector<16xi32>
        %mul3A_349 = arith.constant 16 : i32
        %mul3A_350 = arith.muli %scan3A_344, %mul3A_349 : i32
        %get3A = arith.index_cast %mul3A_350 : i32 to index
        %get3A_351 = tpu.vector_load %arg9[%get3A] {strides = array<i32>} : memref<1024xf32, #tpu.memory_space<vmem>>, vector<16xf32>,
        %jit3A = arith.constant -3.000000e+38 : f32
        %broadcast_in_dim3A_352 = vector.broadcast %jit3A : f32 to vector<16xf32>
        %select_n3A_353 = arith.select %eq3A_348, %broadcast_in_dim3A_352, %get3A_351 : vector<16xi1>, vector<16xf32>
        %mul3A_354 = arith.constant 16 : i32
        %mul3A_355 = arith.muli %scan3A_344, %mul3A_354 : i32
        %swap3A_356 = arith.index_cast %mul3A_355 : i32 to index
        %swap3A_357 = tpu.vector_load %arg9[%swap3A_356] {strides = array<i32>} : memref<1024xf32, #tpu.memory_space<vmem>>, vector<16xf32>,
        tpu.vector_store %arg9[%swap3A_356], %select_n3A_353 {strides = array<i32>} : memref<1024xf32, #tpu.memory_space<vmem>>, vector<16xf32>,
      }
      %scan3A_166 = arith.constant 64 : i32
      %broadcast_in_dim3A_167 = arith.constant -3.000000e+38 : f32
      %broadcast_in_dim3A_168 = vector.broadcast %broadcast_in_dim3A_167 : f32 to vector<16xf32>
      %scan3A_169 = arith.constant 0 : i32
      %scan3A_170 = arith.constant 64 : i32
      %scan3A_171 = arith.addi %scan3A_169, %scan3A_170 : i32
      %scan3A_172 = arith.constant 1 : i32
      %scan3A_173 = scf.for %scan3A_344 = %scan3A_169 to %scan3A_171 step %scan3A_172 iter_args(%scan3A_345 = %broadcast_in_dim3A_168) -> (vector<16xf32>)  : i32 {
        %mul3A = arith.constant 16 : i32
        %mul3A_346 = arith.muli %scan3A_344, %mul3A : i32
        %get3A = arith.index_cast %mul3A_346 : i32 to index
        %get3A_347 = tpu.vector_load %arg9[%get3A] {strides = array<i32>} : memref<1024xf32, #tpu.memory_space<vmem>>, vector<16xf32>,
        %max3A = arith.maximumf %scan3A_345, %get3A_347 : vector<16xf32>
        scf.yield %max3A : vector<16xf32>
      }
      %scan3A_174 = arith.constant 64 : i32
      %reduce_max3A_175 = arith.constant true
      %reduce_max3A_176 = vector.broadcast %reduce_max3A_175 : i1 to vector<16xi1>
      %reduce_max3A_177 = tpu.scan <max>, %scan3A_173 masked %reduce_max3A_176 : vector<16xf32>, vector<16xi1> -> vector<16xf32>
      %reduce_max3A_178 = vector.extract %reduce_max3A_177[15] : f32 from vector<16xf32>
      %broadcast_in_dim3A_179 = arith.constant 1024 : i32
      %broadcast_in_dim3A_180 = vector.broadcast %broadcast_in_dim3A_179 : i32 to vector<16xi32>
      %scan3A_181 = arith.constant 0 : i32
      %scan3A_182 = arith.constant 64 : i32
      %scan3A_183 = arith.addi %scan3A_181, %scan3A_182 : i32
      %scan3A_184 = arith.constant 1 : i32
      %scan3A_185 = scf.for %scan3A_344 = %scan3A_181 to %scan3A_183 step %scan3A_184 iter_args(%scan3A_345 = %broadcast_in_dim3A_180) -> (vector<16xi32>)  : i32 {
        %mul3A = arith.constant 16 : i32
        %mul3A_346 = arith.muli %scan3A_344, %mul3A : i32
        %get3A = arith.index_cast %mul3A_346 : i32 to index
        %get3A_347 = tpu.vector_load %arg9[%get3A] {strides = array<i32>} : memref<1024xf32, #tpu.memory_space<vmem>>, vector<16xf32>,
        %eq3A_348 = vector.broadcast %reduce_max3A_178 : f32 to vector<16xf32>
        %eq3A_349 = arith.cmpf oeq, %get3A_347, %eq3A_348 : vector<16xf32>
        %mul3A_350 = arith.constant 16 : i32
        %mul3A_351 = arith.muli %scan3A_344, %mul3A_350 : i32
        %add3A = vector.broadcast %mul3A_351 : i32 to vector<16xi32>
        %add3A_352 = arith.addi %iota3A, %add3A : vector<16xi32>
        %jit3A = arith.constant 1024 : i32
        %broadcast_in_dim3A_353 = vector.broadcast %jit3A : i32 to vector<16xi32>
        %select_n3A_354 = arith.select %eq3A_349, %add3A_352, %broadcast_in_dim3A_353 : vector<16xi1>, vector<16xi32>
        %min3A = arith.minsi %scan3A_345, %select_n3A_354 : vector<16xi32>
        scf.yield %min3A : vector<16xi32>
      }
      %scan3A_186 = arith.constant 64 : i32
      %reduce_min3A_187 = arith.constant true
      %reduce_min3A_188 = vector.broadcast %reduce_min3A_187 : i1 to vector<16xi1>
      %reduce_min3A_189 = arith.constant -2147483648 : i32
      %reduce_min3A_190 = vector.broadcast %reduce_min3A_189 : i32 to vector<16xi32>
      %reduce_min3A_191 = arith.xori %scan3A_185, %reduce_min3A_190 : vector<16xi32>
      %reduce_min3A_192 = tpu.scan <min>, %reduce_min3A_191 masked %reduce_min3A_188 : vector<16xi32>, vector<16xi1> -> vector<16xi32>
      %reduce_min3A_193 = arith.xori %reduce_min3A_192, %reduce_min3A_190 : vector<16xi32>
      %reduce_min3A_194 = vector.extract %reduce_min3A_193[15] : i32 from vector<16xi32>
      %eq3A_195 = arith.constant 4 : i32
      %eq3A_196 = vector.broadcast %eq3A_195 : i32 to vector<16xi32>
      %eq3A_197 = arith.cmpi eq, %iota3A, %eq3A_196 : vector<16xi32>
      %broadcast_in_dim3A_198 = vector.broadcast %reduce_min3A_194 : i32 to vector<16xi32>
      %select_n3A_199 = arith.select %eq3A_197, %broadcast_in_dim3A_198, %select_n3A_158 : vector<16xi1>, vector<16xi32>
      %broadcast_in_dim3A_200 = vector.broadcast %reduce_min3A_194 : i32 to vector<16xi32>
      %select_n3A_201 = arith.select %eq3A_197, %broadcast_in_dim3A_200, %select_n3A_160 : vector<16xi1>, vector<16xi32>
      %scan3A_202 = arith.constant 0 : i32
      %scan3A_203 = arith.constant 0 : i32
      %scan3A_204 = arith.constant 64 : i32
      %scan3A_205 = arith.addi %scan3A_203, %scan3A_204 : i32
      %scan3A_206 = arith.constant 1 : i32
      scf.for %scan3A_344 = %scan3A_203 to %scan3A_205 step %scan3A_206  : i32 {
        %mul3A = arith.constant 16 : i32
        %mul3A_345 = arith.muli %scan3A_344, %mul3A : i32
        %add3A = vector.broadcast %mul3A_345 : i32 to vector<16xi32>
        %add3A_346 = arith.addi %iota3A, %add3A : vector<16xi32>
        %eq3A_347 = vector.broadcast %reduce_min3A_194 : i32 to vector<16xi32>
        %eq3A_348 = arith.cmpi eq, %add3A_346, %eq3A_347 : vector<16xi32>
        %mul3A_349 = arith.constant 16 : i32
        %mul3A_350 = arith.muli %scan3A_344, %mul3A_349 : i32
        %get3A = arith.index_cast %mul3A_350 : i32 to index
        %get3A_351 = tpu.vector_load %arg9[%get3A] {strides = array<i32>} : memref<1024xf32, #tpu.memory_space<vmem>>, vector<16xf32>,
        %jit3A = arith.constant -3.000000e+38 : f32
        %broadcast_in_dim3A_352 = vector.broadcast %jit3A : f32 to vector<16xf32>
        %select_n3A_353 = arith.select %eq3A_348, %broadcast_in_dim3A_352, %get3A_351 : vector<16xi1>, vector<16xf32>
        %mul3A_354 = arith.constant 16 : i32
        %mul3A_355 = arith.muli %scan3A_344, %mul3A_354 : i32
        %swap3A_356 = arith.index_cast %mul3A_355 : i32 to index
        %swap3A_357 = tpu.vector_load %arg9[%swap3A_356] {strides = array<i32>} : memref<1024xf32, #tpu.memory_space<vmem>>, vector<16xf32>,
        tpu.vector_store %arg9[%swap3A_356], %select_n3A_353 {strides = array<i32>} : memref<1024xf32, #tpu.memory_space<vmem>>, vector<16xf32>,
      }
      %scan3A_207 = arith.constant 64 : i32
      %broadcast_in_dim3A_208 = arith.constant -3.000000e+38 : f32
      %broadcast_in_dim3A_209 = vector.broadcast %broadcast_in_dim3A_208 : f32 to vector<16xf32>
      %scan3A_210 = arith.constant 0 : i32
      %scan3A_211 = arith.constant 64 : i32
      %scan3A_212 = arith.addi %scan3A_210, %scan3A_211 : i32
      %scan3A_213 = arith.constant 1 : i32
      %scan3A_214 = scf.for %scan3A_344 = %scan3A_210 to %scan3A_212 step %scan3A_213 iter_args(%scan3A_345 = %broadcast_in_dim3A_209) -> (vector<16xf32>)  : i32 {
        %mul3A = arith.constant 16 : i32
        %mul3A_346 = arith.muli %scan3A_344, %mul3A : i32
        %get3A = arith.index_cast %mul3A_346 : i32 to index
        %get3A_347 = tpu.vector_load %arg9[%get3A] {strides = array<i32>} : memref<1024xf32, #tpu.memory_space<vmem>>, vector<16xf32>,
        %max3A = arith.maximumf %scan3A_345, %get3A_347 : vector<16xf32>
        scf.yield %max3A : vector<16xf32>
      }
      %scan3A_215 = arith.constant 64 : i32
      %reduce_max3A_216 = arith.constant true
      %reduce_max3A_217 = vector.broadcast %reduce_max3A_216 : i1 to vector<16xi1>
      %reduce_max3A_218 = tpu.scan <max>, %scan3A_214 masked %reduce_max3A_217 : vector<16xf32>, vector<16xi1> -> vector<16xf32>
      %reduce_max3A_219 = vector.extract %reduce_max3A_218[15] : f32 from vector<16xf32>
      %broadcast_in_dim3A_220 = arith.constant 1024 : i32
      %broadcast_in_dim3A_221 = vector.broadcast %broadcast_in_dim3A_220 : i32 to vector<16xi32>
      %scan3A_222 = arith.constant 0 : i32
      %scan3A_223 = arith.constant 64 : i32
      %scan3A_224 = arith.addi %scan3A_222, %scan3A_223 : i32
      %scan3A_225 = arith.constant 1 : i32
      %scan3A_226 = scf.for %scan3A_344 = %scan3A_222 to %scan3A_224 step %scan3A_225 iter_args(%scan3A_345 = %broadcast_in_dim3A_221) -> (vector<16xi32>)  : i32 {
        %mul3A = arith.constant 16 : i32
        %mul3A_346 = arith.muli %scan3A_344, %mul3A : i32
        %get3A = arith.index_cast %mul3A_346 : i32 to index
        %get3A_347 = tpu.vector_load %arg9[%get3A] {strides = array<i32>} : memref<1024xf32, #tpu.memory_space<vmem>>, vector<16xf32>,
        %eq3A_348 = vector.broadcast %reduce_max3A_219 : f32 to vector<16xf32>
        %eq3A_349 = arith.cmpf oeq, %get3A_347, %eq3A_348 : vector<16xf32>
        %mul3A_350 = arith.constant 16 : i32
        %mul3A_351 = arith.muli %scan3A_344, %mul3A_350 : i32
        %add3A = vector.broadcast %mul3A_351 : i32 to vector<16xi32>
        %add3A_352 = arith.addi %iota3A, %add3A : vector<16xi32>
        %jit3A = arith.constant 1024 : i32
        %broadcast_in_dim3A_353 = vector.broadcast %jit3A : i32 to vector<16xi32>
        %select_n3A_354 = arith.select %eq3A_349, %add3A_352, %broadcast_in_dim3A_353 : vector<16xi1>, vector<16xi32>
        %min3A = arith.minsi %scan3A_345, %select_n3A_354 : vector<16xi32>
        scf.yield %min3A : vector<16xi32>
      }
      %scan3A_227 = arith.constant 64 : i32
      %reduce_min3A_228 = arith.constant true
      %reduce_min3A_229 = vector.broadcast %reduce_min3A_228 : i1 to vector<16xi1>
      %reduce_min3A_230 = arith.constant -2147483648 : i32
      %reduce_min3A_231 = vector.broadcast %reduce_min3A_230 : i32 to vector<16xi32>
      %reduce_min3A_232 = arith.xori %scan3A_226, %reduce_min3A_231 : vector<16xi32>
      %reduce_min3A_233 = tpu.scan <min>, %reduce_min3A_232 masked %reduce_min3A_229 : vector<16xi32>, vector<16xi1> -> vector<16xi32>
      %reduce_min3A_234 = arith.xori %reduce_min3A_233, %reduce_min3A_231 : vector<16xi32>
      %reduce_min3A_235 = vector.extract %reduce_min3A_234[15] : i32 from vector<16xi32>
      %eq3A_236 = arith.constant 5 : i32
      %eq3A_237 = vector.broadcast %eq3A_236 : i32 to vector<16xi32>
      %eq3A_238 = arith.cmpi eq, %iota3A, %eq3A_237 : vector<16xi32>
      %broadcast_in_dim3A_239 = vector.broadcast %reduce_min3A_235 : i32 to vector<16xi32>
      %select_n3A_240 = arith.select %eq3A_238, %broadcast_in_dim3A_239, %select_n3A_199 : vector<16xi1>, vector<16xi32>
      %broadcast_in_dim3A_241 = vector.broadcast %reduce_min3A_235 : i32 to vector<16xi32>
      %select_n3A_242 = arith.select %eq3A_238, %broadcast_in_dim3A_241, %select_n3A_201 : vector<16xi1>, vector<16xi32>
      %scan3A_243 = arith.constant 0 : i32
      %scan3A_244 = arith.constant 0 : i32
      %scan3A_245 = arith.constant 64 : i32
      %scan3A_246 = arith.addi %scan3A_244, %scan3A_245 : i32
      %scan3A_247 = arith.constant 1 : i32
      scf.for %scan3A_344 = %scan3A_244 to %scan3A_246 step %scan3A_247  : i32 {
        %mul3A = arith.constant 16 : i32
        %mul3A_345 = arith.muli %scan3A_344, %mul3A : i32
        %add3A = vector.broadcast %mul3A_345 : i32 to vector<16xi32>
        %add3A_346 = arith.addi %iota3A, %add3A : vector<16xi32>
        %eq3A_347 = vector.broadcast %reduce_min3A_235 : i32 to vector<16xi32>
        %eq3A_348 = arith.cmpi eq, %add3A_346, %eq3A_347 : vector<16xi32>
        %mul3A_349 = arith.constant 16 : i32
        %mul3A_350 = arith.muli %scan3A_344, %mul3A_349 : i32
        %get3A = arith.index_cast %mul3A_350 : i32 to index
        %get3A_351 = tpu.vector_load %arg9[%get3A] {strides = array<i32>} : memref<1024xf32, #tpu.memory_space<vmem>>, vector<16xf32>,
        %jit3A = arith.constant -3.000000e+38 : f32
        %broadcast_in_dim3A_352 = vector.broadcast %jit3A : f32 to vector<16xf32>
        %select_n3A_353 = arith.select %eq3A_348, %broadcast_in_dim3A_352, %get3A_351 : vector<16xi1>, vector<16xf32>
        %mul3A_354 = arith.constant 16 : i32
        %mul3A_355 = arith.muli %scan3A_344, %mul3A_354 : i32
        %swap3A_356 = arith.index_cast %mul3A_355 : i32 to index
        %swap3A_357 = tpu.vector_load %arg9[%swap3A_356] {strides = array<i32>} : memref<1024xf32, #tpu.memory_space<vmem>>, vector<16xf32>,
        tpu.vector_store %arg9[%swap3A_356], %select_n3A_353 {strides = array<i32>} : memref<1024xf32, #tpu.memory_space<vmem>>, vector<16xf32>,
      }
      %scan3A_248 = arith.constant 64 : i32
      %broadcast_in_dim3A_249 = arith.constant -3.000000e+38 : f32
      %broadcast_in_dim3A_250 = vector.broadcast %broadcast_in_dim3A_249 : f32 to vector<16xf32>
      %scan3A_251 = arith.constant 0 : i32
      %scan3A_252 = arith.constant 64 : i32
      %scan3A_253 = arith.addi %scan3A_251, %scan3A_252 : i32
      %scan3A_254 = arith.constant 1 : i32
      %scan3A_255 = scf.for %scan3A_344 = %scan3A_251 to %scan3A_253 step %scan3A_254 iter_args(%scan3A_345 = %broadcast_in_dim3A_250) -> (vector<16xf32>)  : i32 {
        %mul3A = arith.constant 16 : i32
        %mul3A_346 = arith.muli %scan3A_344, %mul3A : i32
        %get3A = arith.index_cast %mul3A_346 : i32 to index
        %get3A_347 = tpu.vector_load %arg9[%get3A] {strides = array<i32>} : memref<1024xf32, #tpu.memory_space<vmem>>, vector<16xf32>,
        %max3A = arith.maximumf %scan3A_345, %get3A_347 : vector<16xf32>
        scf.yield %max3A : vector<16xf32>
      }
      %scan3A_256 = arith.constant 64 : i32
      %reduce_max3A_257 = arith.constant true
      %reduce_max3A_258 = vector.broadcast %reduce_max3A_257 : i1 to vector<16xi1>
      %reduce_max3A_259 = tpu.scan <max>, %scan3A_255 masked %reduce_max3A_258 : vector<16xf32>, vector<16xi1> -> vector<16xf32>
      %reduce_max3A_260 = vector.extract %reduce_max3A_259[15] : f32 from vector<16xf32>
      %broadcast_in_dim3A_261 = arith.constant 1024 : i32
      %broadcast_in_dim3A_262 = vector.broadcast %broadcast_in_dim3A_261 : i32 to vector<16xi32>
      %scan3A_263 = arith.constant 0 : i32
      %scan3A_264 = arith.constant 64 : i32
      %scan3A_265 = arith.addi %scan3A_263, %scan3A_264 : i32
      %scan3A_266 = arith.constant 1 : i32
      %scan3A_267 = scf.for %scan3A_344 = %scan3A_263 to %scan3A_265 step %scan3A_266 iter_args(%scan3A_345 = %broadcast_in_dim3A_262) -> (vector<16xi32>)  : i32 {
        %mul3A = arith.constant 16 : i32
        %mul3A_346 = arith.muli %scan3A_344, %mul3A : i32
        %get3A = arith.index_cast %mul3A_346 : i32 to index
        %get3A_347 = tpu.vector_load %arg9[%get3A] {strides = array<i32>} : memref<1024xf32, #tpu.memory_space<vmem>>, vector<16xf32>,
        %eq3A_348 = vector.broadcast %reduce_max3A_260 : f32 to vector<16xf32>
        %eq3A_349 = arith.cmpf oeq, %get3A_347, %eq3A_348 : vector<16xf32>
        %mul3A_350 = arith.constant 16 : i32
        %mul3A_351 = arith.muli %scan3A_344, %mul3A_350 : i32
        %add3A = vector.broadcast %mul3A_351 : i32 to vector<16xi32>
        %add3A_352 = arith.addi %iota3A, %add3A : vector<16xi32>
        %jit3A = arith.constant 1024 : i32
        %broadcast_in_dim3A_353 = vector.broadcast %jit3A : i32 to vector<16xi32>
        %select_n3A_354 = arith.select %eq3A_349, %add3A_352, %broadcast_in_dim3A_353 : vector<16xi1>, vector<16xi32>
        %min3A = arith.minsi %scan3A_345, %select_n3A_354 : vector<16xi32>
        scf.yield %min3A : vector<16xi32>
      }
      %scan3A_268 = arith.constant 64 : i32
      %reduce_min3A_269 = arith.constant true
      %reduce_min3A_270 = vector.broadcast %reduce_min3A_269 : i1 to vector<16xi1>
      %reduce_min3A_271 = arith.constant -2147483648 : i32
      %reduce_min3A_272 = vector.broadcast %reduce_min3A_271 : i32 to vector<16xi32>
      %reduce_min3A_273 = arith.xori %scan3A_267, %reduce_min3A_272 : vector<16xi32>
      %reduce_min3A_274 = tpu.scan <min>, %reduce_min3A_273 masked %reduce_min3A_270 : vector<16xi32>, vector<16xi1> -> vector<16xi32>
      %reduce_min3A_275 = arith.xori %reduce_min3A_274, %reduce_min3A_272 : vector<16xi32>
      %reduce_min3A_276 = vector.extract %reduce_min3A_275[15] : i32 from vector<16xi32>
      %eq3A_277 = arith.constant 6 : i32
      %eq3A_278 = vector.broadcast %eq3A_277 : i32 to vector<16xi32>
      %eq3A_279 = arith.cmpi eq, %iota3A, %eq3A_278 : vector<16xi32>
      %broadcast_in_dim3A_280 = vector.broadcast %reduce_min3A_276 : i32 to vector<16xi32>
      %select_n3A_281 = arith.select %eq3A_279, %broadcast_in_dim3A_280, %select_n3A_240 : vector<16xi1>, vector<16xi32>
      %broadcast_in_dim3A_282 = vector.broadcast %reduce_min3A_276 : i32 to vector<16xi32>
      %select_n3A_283 = arith.select %eq3A_279, %broadcast_in_dim3A_282, %select_n3A_242 : vector<16xi1>, vector<16xi32>
      %scan3A_284 = arith.constant 0 : i32
      %scan3A_285 = arith.constant 0 : i32
      %scan3A_286 = arith.constant 64 : i32
      %scan3A_287 = arith.addi %scan3A_285, %scan3A_286 : i32
      %scan3A_288 = arith.constant 1 : i32
      scf.for %scan3A_344 = %scan3A_285 to %scan3A_287 step %scan3A_288  : i32 {
        %mul3A = arith.constant 16 : i32
        %mul3A_345 = arith.muli %scan3A_344, %mul3A : i32
        %add3A = vector.broadcast %mul3A_345 : i32 to vector<16xi32>
        %add3A_346 = arith.addi %iota3A, %add3A : vector<16xi32>
        %eq3A_347 = vector.broadcast %reduce_min3A_276 : i32 to vector<16xi32>
        %eq3A_348 = arith.cmpi eq, %add3A_346, %eq3A_347 : vector<16xi32>
        %mul3A_349 = arith.constant 16 : i32
        %mul3A_350 = arith.muli %scan3A_344, %mul3A_349 : i32
        %get3A = arith.index_cast %mul3A_350 : i32 to index
        %get3A_351 = tpu.vector_load %arg9[%get3A] {strides = array<i32>} : memref<1024xf32, #tpu.memory_space<vmem>>, vector<16xf32>,
        %jit3A = arith.constant -3.000000e+38 : f32
        %broadcast_in_dim3A_352 = vector.broadcast %jit3A : f32 to vector<16xf32>
        %select_n3A_353 = arith.select %eq3A_348, %broadcast_in_dim3A_352, %get3A_351 : vector<16xi1>, vector<16xf32>
        %mul3A_354 = arith.constant 16 : i32
        %mul3A_355 = arith.muli %scan3A_344, %mul3A_354 : i32
        %swap3A_356 = arith.index_cast %mul3A_355 : i32 to index
        %swap3A_357 = tpu.vector_load %arg9[%swap3A_356] {strides = array<i32>} : memref<1024xf32, #tpu.memory_space<vmem>>, vector<16xf32>,
        tpu.vector_store %arg9[%swap3A_356], %select_n3A_353 {strides = array<i32>} : memref<1024xf32, #tpu.memory_space<vmem>>, vector<16xf32>,
      }
      %scan3A_289 = arith.constant 64 : i32
      %broadcast_in_dim3A_290 = arith.constant -3.000000e+38 : f32
      %broadcast_in_dim3A_291 = vector.broadcast %broadcast_in_dim3A_290 : f32 to vector<16xf32>
      %scan3A_292 = arith.constant 0 : i32
      %scan3A_293 = arith.constant 64 : i32
      %scan3A_294 = arith.addi %scan3A_292, %scan3A_293 : i32
      %scan3A_295 = arith.constant 1 : i32
      %scan3A_296 = scf.for %scan3A_344 = %scan3A_292 to %scan3A_294 step %scan3A_295 iter_args(%scan3A_345 = %broadcast_in_dim3A_291) -> (vector<16xf32>)  : i32 {
        %mul3A = arith.constant 16 : i32
        %mul3A_346 = arith.muli %scan3A_344, %mul3A : i32
        %get3A = arith.index_cast %mul3A_346 : i32 to index
        %get3A_347 = tpu.vector_load %arg9[%get3A] {strides = array<i32>} : memref<1024xf32, #tpu.memory_space<vmem>>, vector<16xf32>,
        %max3A = arith.maximumf %scan3A_345, %get3A_347 : vector<16xf32>
        scf.yield %max3A : vector<16xf32>
      }
      %scan3A_297 = arith.constant 64 : i32
      %reduce_max3A_298 = arith.constant true
      %reduce_max3A_299 = vector.broadcast %reduce_max3A_298 : i1 to vector<16xi1>
      %reduce_max3A_300 = tpu.scan <max>, %scan3A_296 masked %reduce_max3A_299 : vector<16xf32>, vector<16xi1> -> vector<16xf32>
      %reduce_max3A_301 = vector.extract %reduce_max3A_300[15] : f32 from vector<16xf32>
      %broadcast_in_dim3A_302 = arith.constant 1024 : i32
      %broadcast_in_dim3A_303 = vector.broadcast %broadcast_in_dim3A_302 : i32 to vector<16xi32>
      %scan3A_304 = arith.constant 0 : i32
      %scan3A_305 = arith.constant 64 : i32
      %scan3A_306 = arith.addi %scan3A_304, %scan3A_305 : i32
      %scan3A_307 = arith.constant 1 : i32
      %scan3A_308 = scf.for %scan3A_344 = %scan3A_304 to %scan3A_306 step %scan3A_307 iter_args(%scan3A_345 = %broadcast_in_dim3A_303) -> (vector<16xi32>)  : i32 {
        %mul3A = arith.constant 16 : i32
        %mul3A_346 = arith.muli %scan3A_344, %mul3A : i32
        %get3A = arith.index_cast %mul3A_346 : i32 to index
        %get3A_347 = tpu.vector_load %arg9[%get3A] {strides = array<i32>} : memref<1024xf32, #tpu.memory_space<vmem>>, vector<16xf32>,
        %eq3A_348 = vector.broadcast %reduce_max3A_301 : f32 to vector<16xf32>
        %eq3A_349 = arith.cmpf oeq, %get3A_347, %eq3A_348 : vector<16xf32>
        %mul3A_350 = arith.constant 16 : i32
        %mul3A_351 = arith.muli %scan3A_344, %mul3A_350 : i32
        %add3A = vector.broadcast %mul3A_351 : i32 to vector<16xi32>
        %add3A_352 = arith.addi %iota3A, %add3A : vector<16xi32>
        %jit3A = arith.constant 1024 : i32
        %broadcast_in_dim3A_353 = vector.broadcast %jit3A : i32 to vector<16xi32>
        %select_n3A_354 = arith.select %eq3A_349, %add3A_352, %broadcast_in_dim3A_353 : vector<16xi1>, vector<16xi32>
        %min3A = arith.minsi %scan3A_345, %select_n3A_354 : vector<16xi32>
        scf.yield %min3A : vector<16xi32>
      }
      %scan3A_309 = arith.constant 64 : i32
      %reduce_min3A_310 = arith.constant true
      %reduce_min3A_311 = vector.broadcast %reduce_min3A_310 : i1 to vector<16xi1>
      %reduce_min3A_312 = arith.constant -2147483648 : i32
      %reduce_min3A_313 = vector.broadcast %reduce_min3A_312 : i32 to vector<16xi32>
      %reduce_min3A_314 = arith.xori %scan3A_308, %reduce_min3A_313 : vector<16xi32>
      %reduce_min3A_315 = tpu.scan <min>, %reduce_min3A_314 masked %reduce_min3A_311 : vector<16xi32>, vector<16xi1> -> vector<16xi32>
      %reduce_min3A_316 = arith.xori %reduce_min3A_315, %reduce_min3A_313 : vector<16xi32>
      %reduce_min3A_317 = vector.extract %reduce_min3A_316[15] : i32 from vector<16xi32>
      %eq3A_318 = arith.constant 7 : i32
      %eq3A_319 = vector.broadcast %eq3A_318 : i32 to vector<16xi32>
      %eq3A_320 = arith.cmpi eq, %iota3A, %eq3A_319 : vector<16xi32>
      %broadcast_in_dim3A_321 = vector.broadcast %reduce_min3A_317 : i32 to vector<16xi32>
      %select_n3A_322 = arith.select %eq3A_320, %broadcast_in_dim3A_321, %select_n3A_281 : vector<16xi1>, vector<16xi32>
      %broadcast_in_dim3A_323 = vector.broadcast %reduce_min3A_317 : i32 to vector<16xi32>
      %select_n3A_324 = arith.select %eq3A_320, %broadcast_in_dim3A_323, %select_n3A_283 : vector<16xi1>, vector<16xi32>
      %scan3A_325 = arith.constant 0 : i32
      %scan3A_326 = arith.constant 0 : i32
      %scan3A_327 = arith.constant 64 : i32
      %scan3A_328 = arith.addi %scan3A_326, %scan3A_327 : i32
      %scan3A_329 = arith.constant 1 : i32
      scf.for %scan3A_344 = %scan3A_326 to %scan3A_328 step %scan3A_329  : i32 {
        %mul3A = arith.constant 16 : i32
        %mul3A_345 = arith.muli %scan3A_344, %mul3A : i32
        %add3A = vector.broadcast %mul3A_345 : i32 to vector<16xi32>
        %add3A_346 = arith.addi %iota3A, %add3A : vector<16xi32>
        %eq3A_347 = vector.broadcast %reduce_min3A_317 : i32 to vector<16xi32>
        %eq3A_348 = arith.cmpi eq, %add3A_346, %eq3A_347 : vector<16xi32>
        %mul3A_349 = arith.constant 16 : i32
        %mul3A_350 = arith.muli %scan3A_344, %mul3A_349 : i32
        %get3A = arith.index_cast %mul3A_350 : i32 to index
        %get3A_351 = tpu.vector_load %arg9[%get3A] {strides = array<i32>} : memref<1024xf32, #tpu.memory_space<vmem>>, vector<16xf32>,
        %jit3A = arith.constant -3.000000e+38 : f32
        %broadcast_in_dim3A_352 = vector.broadcast %jit3A : f32 to vector<16xf32>
        %select_n3A_353 = arith.select %eq3A_348, %broadcast_in_dim3A_352, %get3A_351 : vector<16xi1>, vector<16xf32>
        %mul3A_354 = arith.constant 16 : i32
        %mul3A_355 = arith.muli %scan3A_344, %mul3A_354 : i32
        %swap3A_356 = arith.index_cast %mul3A_355 : i32 to index
        %swap3A_357 = tpu.vector_load %arg9[%swap3A_356] {strides = array<i32>} : memref<1024xf32, #tpu.memory_space<vmem>>, vector<16xf32>,
        tpu.vector_store %arg9[%swap3A_356], %select_n3A_353 {strides = array<i32>} : memref<1024xf32, #tpu.memory_space<vmem>>, vector<16xf32>,
      }
      %scan3A_330 = arith.constant 64 : i32
      %gather3A = tpu.vector_load_idx %arg10[%select_n3A_324] : memref<1024xf32, #tpu.memory_space<vmem>>[vector<16xi32>], vector<16xf32>,
      %exp3A = math.exp %gather3A : vector<16xf32>
      %swap3A = arith.constant 0 : index
      %swap3A_331 = tpu.vector_load %arg14[%swap3A] {strides = array<i32>} : memref<16xf32, #tpu.memory_space<vmem>>, vector<16xf32>,
      tpu.vector_store %arg14[%swap3A], %exp3A {strides = array<i32>} : memref<16xf32, #tpu.memory_space<vmem>>, vector<16xf32>,
      %swap3A_332 = arith.constant 0 : index
      %swap3A_333 = tpu.vector_load %arg11[%swap3A_332] {strides = array<i32>} : memref<16xi32, #tpu.memory_space<vmem>>, vector<16xi32>,
      tpu.vector_store %arg11[%swap3A_332], %select_n3A_322 {strides = array<i32>} : memref<16xi32, #tpu.memory_space<vmem>>, vector<16xi32>,
      %dma_start3A = arith.constant 0 : i32
      %dma_start3A_334 = arith.constant 0 : i32
      %dma_start3A_335 = tpu.memref_slice %arg4[%dma_start3A, %dma_start3A_334] : memref<1000x128xf32, #tpu.memory_space<hbm>> -> memref<1000x128xf32, #tpu.memory_space<hbm>>
      tpu.enqueue_indirect_dma source(%dma_start3A_335 : memref<1000x128xf32, #tpu.memory_space<hbm>>) target(%arg12 : memref<16x128xf32, #tpu.memory_space<vmem>>) offsets(%arg11 : memref<16xi32, #tpu.memory_space<vmem>>) semaphore(%arg15 : memref<!tpu.dma_semaphore, #tpu.memory_space<semaphore_mem>>)
      %dma_wait3A = arith.constant 0 : i32
      %dma_wait3A_336 = arith.constant 0 : i32
      %dma_wait3A_337 = tpu.memref_slice %arg4[%dma_wait3A, %dma_wait3A_336] : memref<1000x128xf32, #tpu.memory_space<hbm>> -> memref<1000x128xf32, #tpu.memory_space<hbm>>
      tpu.wait_indirect_dma semaphore(%arg15 : memref<!tpu.dma_semaphore, #tpu.memory_space<semaphore_mem>>) src(%dma_wait3A_337 : memref<1000x128xf32, #tpu.memory_space<hbm>>) dst(%arg12 : memref<16x128xf32, #tpu.memory_space<vmem>>)
      %dma_start3A_338 = arith.constant 0 : i32
      %dma_start3A_339 = arith.constant 0 : i32
      %dma_start3A_340 = tpu.memref_slice %arg5[%dma_start3A_338, %dma_start3A_339] : memref<1000x4096xf32, #tpu.memory_space<hbm>> -> memref<1000x4096xf32, #tpu.memory_space<hbm>>
      tpu.enqueue_indirect_dma source(%dma_start3A_340 : memref<1000x4096xf32, #tpu.memory_space<hbm>>) target(%arg13 : memref<16x4096xf32, #tpu.memory_space<vmem>>) offsets(%arg11 : memref<16xi32, #tpu.memory_space<vmem>>) semaphore(%arg15 : memref<!tpu.dma_semaphore, #tpu.memory_space<semaphore_mem>>)
      %dma_wait3A_341 = arith.constant 0 : i32
      %dma_wait3A_342 = arith.constant 0 : i32
      %dma_wait3A_343 = tpu.memref_slice %arg5[%dma_wait3A_341, %dma_wait3A_342] : memref<1000x4096xf32, #tpu.memory_space<hbm>> -> memref<1000x4096xf32, #tpu.memory_space<hbm>>
      tpu.wait_indirect_dma semaphore(%arg15 : memref<!tpu.dma_semaphore, #tpu.memory_space<semaphore_mem>>) src(%dma_wait3A_343 : memref<1000x4096xf32, #tpu.memory_space<hbm>>) dst(%arg13 : memref<16x4096xf32, #tpu.memory_space<vmem>>)
      "tpu.region"() ({
        %run_scoped3A = tpu.sem_alloc : memref<!tpu.dma_semaphore, #tpu.memory_space<semaphore_mem>>
        tpu.enqueue_dma source(%arg12 : memref<16x128xf32, #tpu.memory_space<vmem>>) target(%arg6 : memref<16x128xf32, #tpu.memory_space<hbm>>) target_semaphore(%run_scoped3A : memref<!tpu.dma_semaphore, #tpu.memory_space<semaphore_mem>>)
        tpu.wait_dma2 semaphore(%run_scoped3A : memref<!tpu.dma_semaphore, #tpu.memory_space<semaphore_mem>>) src(%arg12 : memref<16x128xf32, #tpu.memory_space<vmem>>) dst(%arg6 : memref<16x128xf32, #tpu.memory_space<hbm>>)
        tpu.yield
      }) : () -> ()
      "tpu.region"() ({
        %run_scoped3A = tpu.sem_alloc : memref<!tpu.dma_semaphore, #tpu.memory_space<semaphore_mem>>
        tpu.enqueue_dma source(%arg13 : memref<16x4096xf32, #tpu.memory_space<vmem>>) target(%arg7 : memref<16x4096xf32, #tpu.memory_space<hbm>>) target_semaphore(%run_scoped3A : memref<!tpu.dma_semaphore, #tpu.memory_space<semaphore_mem>>)
        tpu.wait_dma2 semaphore(%run_scoped3A : memref<!tpu.dma_semaphore, #tpu.memory_space<semaphore_mem>>) src(%arg13 : memref<16x4096xf32, #tpu.memory_space<vmem>>) dst(%arg7 : memref<16x4096xf32, #tpu.memory_space<hbm>>)
        tpu.yield
      }) : () -> ()
      "tpu.region"() ({
        %run_scoped3A = tpu.sem_alloc : memref<!tpu.dma_semaphore, #tpu.memory_space<semaphore_mem>>
        tpu.enqueue_dma source(%arg14 : memref<16xf32, #tpu.memory_space<vmem>>) target(%arg8 : memref<16xf32, #tpu.memory_space<hbm>>) target_semaphore(%run_scoped3A : memref<!tpu.dma_semaphore, #tpu.memory_space<semaphore_mem>>)
        tpu.wait_dma2 semaphore(%run_scoped3A : memref<!tpu.dma_semaphore, #tpu.memory_space<semaphore_mem>>) src(%arg14 : memref<16xf32, #tpu.memory_space<vmem>>) dst(%arg8 : memref<16xf32, #tpu.memory_space<hbm>>)
        tpu.yield
      }) : () -> ()
    } else {
    }
    return
  }
}

module attributes {stable_mosaic.version = 14 : i64} {
  func.func @_qproj_kernel(%arg0: i32, %arg1: memref<512x4096xf32, #tpu.memory_space<vmem>>, %arg2: memref<128x4096xf32, #tpu.memory_space<vmem>>, %arg3: memref<1024x128xf32, #tpu.memory_space<vmem>>, %arg4: memref<1x1024xf32, #tpu.memory_space<vmem>>, %arg5: memref<512x128xf32, #tpu.memory_space<vmem>>, %arg6: memref<1x1024xf32, #tpu.memory_space<vmem>>, %arg7: memref<1x1024xf32, #tpu.memory_space<vmem>>, %arg8: memref<1x128xf32, #tpu.memory_space<vmem>>) attributes {dimension_semantics = [#tpu.dimension_semantics<arbitrary>], iteration_bounds = array<i64: 16>, scalar_prefetch = 0 : i64, scratch_operands = 1 : i64, tpu.core_type = #tpu.core_type<tc>, window_params = [{transform_indices = @transform_0, window_bounds = array<i64: 512, 4096>}, {pipeline_mode = #tpu.pipeline_mode<synchronous>, transform_indices = @transform_1, window_bounds = array<i64: 128, 4096>}, {pipeline_mode = #tpu.pipeline_mode<synchronous>, transform_indices = @transform_2, window_bounds = array<i64: 1024, 128>}, {pipeline_mode = #tpu.pipeline_mode<synchronous>, transform_indices = @transform_3, window_bounds = array<i64: 1, 1024>}, {transform_indices = @transform_4, window_bounds = array<i64: 512, 128>}, {pipeline_mode = #tpu.pipeline_mode<synchronous>, transform_indices = @transform_5, window_bounds = array<i64: 1, 1024>}, {pipeline_mode = #tpu.pipeline_mode<synchronous>, transform_indices = @transform_6, window_bounds = array<i64: 1, 1024>}]} {
    %get3A = arith.constant 0 : index
    %get3A_0 = arith.constant 0 : index
    %get3A_1 = vector.load %arg1[%get3A, %get3A_0] : memref<512x4096xf32, #tpu.memory_space<vmem>>, vector<512x4096xf32>
    %get3A_2 = arith.constant 0 : index
    %get3A_3 = arith.constant 0 : index
    %get3A_4 = vector.load %arg2[%get3A_2, %get3A_3] : memref<128x4096xf32, #tpu.memory_space<vmem>>, vector<128x4096xf32>
    %dot_general3A = arith.constant dense<0.000000e+00> : vector<512x128xf32>
    %dot_general3A_5 = tpu.matmul %get3A_1, %get3A_4, %dot_general3A {dimension_numbers = #tpu.dot_dimension_numbers<[1], [1], [0], [0], [0, 0, 1, 0], [], []>, transpose_lhs_hint = false} : vector<512x4096xf32>, vector<128x4096xf32>, vector<512x128xf32> -> vector<512x128xf32>
    %swap3A = arith.constant 0 : index
    %swap3A_6 = arith.constant 0 : index
    %swap3A_7 = vector.load %arg5[%swap3A, %swap3A_6] : memref<512x128xf32, #tpu.memory_space<vmem>>, vector<512x128xf32>
    tpu.vector_store %arg5[%swap3A, %swap3A_6], %dot_general3A_5 {strides = array<i32>} : memref<512x128xf32, #tpu.memory_space<vmem>>, vector<512x128xf32>,
    %eq3A = arith.constant 0 : i32
    %eq3A_8 = arith.cmpi eq, %arg0, %eq3A : i32
    %convert_element_type3A = arith.extui %eq3A_8 : i1 to i32
    %cond3A = arith.constant 0 : i32
    %cond3A_9 = arith.cmpi ne, %convert_element_type3A, %cond3A : i32
    scf.if %cond3A_9 {
      %broadcast_in_dim3A_22 = arith.constant 0.000000e+00 : f32
      %broadcast_in_dim3A_23 = vector.broadcast %broadcast_in_dim3A_22 : f32 to vector<1x128xf32>
      %swap3A_24 = arith.constant 0 : index
      %swap3A_25 = arith.constant 0 : index
      %swap3A_26 = vector.load %arg8[%swap3A_24, %swap3A_25] : memref<1x128xf32, #tpu.memory_space<vmem>>, vector<1x128xf32>
      tpu.vector_store %arg8[%swap3A_24, %swap3A_25], %broadcast_in_dim3A_23 {strides = array<i32>} : memref<1x128xf32, #tpu.memory_space<vmem>>, vector<1x128xf32>,
    } else {
    }
    %get3A_10 = arith.constant 0 : index
    %get3A_11 = arith.constant 0 : index
    %get3A_12 = vector.load %arg8[%get3A_10, %get3A_11] : memref<1x128xf32, #tpu.memory_space<vmem>>, vector<1x128xf32>
    %reduce_sum3A = arith.constant dense<0.000000e+00> : vector<128xf32>
    %reduce_sum3A_13 = vector.multi_reduction <add>, %dot_general3A_5, %reduce_sum3A [0] : vector<512x128xf32> to vector<128xf32>
    %broadcast_in_dim3A = vector.shape_cast %reduce_sum3A_13 : vector<128xf32> to vector<1x128xf32>
    %add3A = arith.addf %get3A_12, %broadcast_in_dim3A : vector<1x128xf32>
    %swap3A_14 = arith.constant 0 : index
    %swap3A_15 = arith.constant 0 : index
    %swap3A_16 = vector.load %arg8[%swap3A_14, %swap3A_15] : memref<1x128xf32, #tpu.memory_space<vmem>>, vector<1x128xf32>
    tpu.vector_store %arg8[%swap3A_14, %swap3A_15], %add3A {strides = array<i32>} : memref<1x128xf32, #tpu.memory_space<vmem>>, vector<1x128xf32>,
    %eq3A_17 = arith.constant 15 : i32
    %eq3A_18 = arith.cmpi eq, %arg0, %eq3A_17 : i32
    %convert_element_type3A_19 = arith.extui %eq3A_18 : i1 to i32
    %cond3A_20 = arith.constant 0 : i32
    %cond3A_21 = arith.cmpi ne, %convert_element_type3A_19, %cond3A_20 : i32
    scf.if %cond3A_21 {
      %get3A_22 = arith.constant 0 : index
      %get3A_23 = arith.constant 0 : index
      %get3A_24 = vector.load %arg8[%get3A_22, %get3A_23] : memref<1x128xf32, #tpu.memory_space<vmem>>, vector<1x128xf32>
      %get3A_25 = arith.constant 0 : index
      %get3A_26 = arith.constant 0 : index
      %get3A_27 = vector.load %arg3[%get3A_25, %get3A_26] : memref<1024x128xf32, #tpu.memory_space<vmem>>, vector<1024x128xf32>
      %dot_general3A_28 = arith.constant dense<0.000000e+00> : vector<1x1024xf32>
      %dot_general3A_29 = tpu.matmul %get3A_24, %get3A_27, %dot_general3A_28 {dimension_numbers = #tpu.dot_dimension_numbers<[1], [1], [0], [0], [0, 0, 1, 0], [], []>, transpose_lhs_hint = false} : vector<1x128xf32>, vector<1024x128xf32>, vector<1x1024xf32> -> vector<1x1024xf32>
      %mul3A = arith.constant 1.22070313E-4 : f32
      %mul3A_30 = vector.broadcast %mul3A : f32 to vector<1x1024xf32>
      %mul3A_31 = arith.mulf %dot_general3A_29, %mul3A_30 : vector<1x1024xf32>
      %iota3A = tpu.iota {dimensions = array<i32: 1>} : vector<1x1024xi32>
      %lt3A = arith.constant 1000 : i32
      %lt3A_32 = vector.broadcast %lt3A : i32 to vector<1x1024xi32>
      %lt3A_33 = arith.cmpi slt, %iota3A, %lt3A_32 : vector<1x1024xi32>
      %get3A_34 = arith.constant 0 : index
      %get3A_35 = arith.constant 0 : index
      %get3A_36 = vector.load %arg4[%get3A_34, %get3A_35] : memref<1x1024xf32, #tpu.memory_space<vmem>>, vector<1x1024xf32>
      %jit3A = arith.constant 1.000000e-10 : f32
      %max3A = vector.broadcast %jit3A : f32 to vector<1x1024xf32>
      %max3A_37 = arith.maximumf %max3A, %get3A_36 : vector<1x1024xf32>
      %log3A = math.log %max3A_37 : vector<1x1024xf32>
      %jit3A_38 = arith.constant -1.000000e+30 : f32
      %broadcast_in_dim3A_39 = vector.broadcast %jit3A_38 : f32 to vector<1x1024xf32>
      %select_n3A = arith.select %lt3A_33, %log3A, %broadcast_in_dim3A_39 : vector<1x1024xi1>, vector<1x1024xf32>
      %swap3A_40 = arith.constant 0 : index
      %swap3A_41 = arith.constant 0 : index
      %swap3A_42 = vector.load %arg7[%swap3A_40, %swap3A_41] : memref<1x1024xf32, #tpu.memory_space<vmem>>, vector<1x1024xf32>
      tpu.vector_store %arg7[%swap3A_40, %swap3A_41], %select_n3A {strides = array<i32>} : memref<1x1024xf32, #tpu.memory_space<vmem>>, vector<1x1024xf32>,
      %lt3A_43 = arith.constant 1000 : i32
      %lt3A_44 = vector.broadcast %lt3A_43 : i32 to vector<1x1024xi32>
      %lt3A_45 = arith.cmpi slt, %iota3A, %lt3A_44 : vector<1x1024xi32>
      %add3A_46 = arith.addf %mul3A_31, %select_n3A : vector<1x1024xf32>
      %jit3A_47 = arith.constant -1.000000e+30 : f32
      %broadcast_in_dim3A_48 = vector.broadcast %jit3A_47 : f32 to vector<1x1024xf32>
      %select_n3A_49 = arith.select %lt3A_45, %add3A_46, %broadcast_in_dim3A_48 : vector<1x1024xi1>, vector<1x1024xf32>
      %swap3A_50 = arith.constant 0 : index
      %swap3A_51 = arith.constant 0 : index
      %swap3A_52 = vector.load %arg6[%swap3A_50, %swap3A_51] : memref<1x1024xf32, #tpu.memory_space<vmem>>, vector<1x1024xf32>
      tpu.vector_store %arg6[%swap3A_50, %swap3A_51], %select_n3A_49 {strides = array<i32>} : memref<1x1024xf32, #tpu.memory_space<vmem>>, vector<1x1024xf32>,
    } else {
    }
    return
  }
  func.func @transform_0(%arg0: i32) -> (i32, i32) {
    %c0_i32 = arith.constant 0 : i32
    %c0_i32_0 = arith.constant 0 : i32
    return %arg0, %c0_i32 : i32, i32
  }
  func.func @transform_1(%arg0: i32) -> (i32, i32) {
    %c0_i32 = arith.constant 0 : i32
    %c0_i32_0 = arith.constant 0 : i32
    %c0_i32_1 = arith.constant 0 : i32
    return %c0_i32, %c0_i32_0 : i32, i32
  }
  func.func @transform_2(%arg0: i32) -> (i32, i32) {
    %c0_i32 = arith.constant 0 : i32
    %c0_i32_0 = arith.constant 0 : i32
    %c0_i32_1 = arith.constant 0 : i32
    return %c0_i32, %c0_i32_0 : i32, i32
  }
  func.func @transform_3(%arg0: i32) -> (i32, i32) {
    %c0_i32 = arith.constant 0 : i32
    %c0_i32_0 = arith.constant 0 : i32
    %c0_i32_1 = arith.constant 0 : i32
    return %c0_i32, %c0_i32_0 : i32, i32
  }
  func.func @transform_4(%arg0: i32) -> (i32, i32) {
    %c0_i32 = arith.constant 0 : i32
    %c0_i32_0 = arith.constant 0 : i32
    return %arg0, %c0_i32 : i32, i32
  }
  func.func @transform_5(%arg0: i32) -> (i32, i32) {
    %c0_i32 = arith.constant 0 : i32
    %c0_i32_0 = arith.constant 0 : i32
    %c0_i32_1 = arith.constant 0 : i32
    return %c0_i32, %c0_i32_0 : i32, i32
  }
  func.func @transform_6(%arg0: i32) -> (i32, i32) {
    %c0_i32 = arith.constant 0 : i32
    %c0_i32_0 = arith.constant 0 : i32
    %c0_i32_1 = arith.constant 0 : i32
    return %c0_i32, %c0_i32_0 : i32, i32
  }
}

module attributes {stable_mosaic.version = 14 : i64} {
  func.func @_attn_kernel(%arg0: i32, %arg1: memref<512x128xf32, #tpu.memory_space<vmem>>, %arg2: memref<16x128xf32, #tpu.memory_space<vmem>>, %arg3: memref<1x16xf32, #tpu.memory_space<vmem>>, %arg4: memref<16x4096xf32, #tpu.memory_space<vmem>>, %arg5: memref<256x4096xf32, #tpu.memory_space<vmem>>, %arg6: memref<4096x256xf32, #tpu.memory_space<vmem>>, %arg7: memref<512x4096xf32, #tpu.memory_space<vmem>>, %arg8: memref<16x256xf32, #tpu.memory_space<vmem>>) attributes {dimension_semantics = [#tpu.dimension_semantics<arbitrary>], iteration_bounds = array<i64: 16>, scalar_prefetch = 0 : i64, scratch_operands = 1 : i64, tpu.core_type = #tpu.core_type<tc>, window_params = [{transform_indices = @transform_0, window_bounds = array<i64: 512, 128>}, {pipeline_mode = #tpu.pipeline_mode<synchronous>, transform_indices = @transform_1, window_bounds = array<i64: 16, 128>}, {pipeline_mode = #tpu.pipeline_mode<synchronous>, transform_indices = @transform_2, window_bounds = array<i64: 1, 16>}, {pipeline_mode = #tpu.pipeline_mode<synchronous>, transform_indices = @transform_3, window_bounds = array<i64: 16, 4096>}, {pipeline_mode = #tpu.pipeline_mode<synchronous>, transform_indices = @transform_4, window_bounds = array<i64: 256, 4096>}, {pipeline_mode = #tpu.pipeline_mode<synchronous>, transform_indices = @transform_5, window_bounds = array<i64: 4096, 256>}, {transform_indices = @transform_6, window_bounds = array<i64: 512, 4096>}]} {
    %eq3A = arith.constant 0 : i32
    %eq3A_0 = arith.cmpi eq, %arg0, %eq3A : i32
    %convert_element_type3A = arith.extui %eq3A_0 : i1 to i32
    %cond3A = arith.constant 0 : i32
    %cond3A_1 = arith.cmpi ne, %convert_element_type3A, %cond3A : i32
    scf.if %cond3A_1 {
      %get3A_46 = arith.constant 0 : index
      %get3A_47 = arith.constant 0 : index
      %get3A_48 = vector.load %arg4[%get3A_46, %get3A_47] : memref<16x4096xf32, #tpu.memory_space<vmem>>, vector<16x4096xf32>
      %get3A_49 = arith.constant 0 : index
      %get3A_50 = arith.constant 0 : index
      %get3A_51 = vector.load %arg5[%get3A_49, %get3A_50] : memref<256x4096xf32, #tpu.memory_space<vmem>>, vector<256x4096xf32>
      %dot_general3A_52 = arith.constant dense<0.000000e+00> : vector<16x256xf32>
      %dot_general3A_53 = tpu.matmul %get3A_48, %get3A_51, %dot_general3A_52 {dimension_numbers = #tpu.dot_dimension_numbers<[1], [1], [0], [0], [0, 0, 1, 0], [], []>, transpose_lhs_hint = false} : vector<16x4096xf32>, vector<256x4096xf32>, vector<16x256xf32> -> vector<16x256xf32>
      %swap3A_54 = arith.constant 0 : index
      %swap3A_55 = arith.constant 0 : index
      %swap3A_56 = vector.load %arg8[%swap3A_54, %swap3A_55] : memref<16x256xf32, #tpu.memory_space<vmem>>, vector<16x256xf32>
      tpu.vector_store %arg8[%swap3A_54, %swap3A_55], %dot_general3A_53 {strides = array<i32>} : memref<16x256xf32, #tpu.memory_space<vmem>>, vector<16x256xf32>,
    } else {
    }
    %get3A = arith.constant 0 : index
    %get3A_2 = arith.constant 0 : index
    %get3A_3 = vector.load %arg3[%get3A, %get3A_2] : memref<1x16xf32, #tpu.memory_space<vmem>>, vector<1x16xf32>
    %get3A_4 = arith.constant 0 : index
    %get3A_5 = arith.constant 0 : index
    %get3A_6 = vector.load %arg1[%get3A_4, %get3A_5] : memref<512x128xf32, #tpu.memory_space<vmem>>, vector<512x128xf32>
    %get3A_7 = arith.constant 0 : index
    %get3A_8 = arith.constant 0 : index
    %get3A_9 = vector.load %arg2[%get3A_7, %get3A_8] : memref<16x128xf32, #tpu.memory_space<vmem>>, vector<16x128xf32>
    %dot_general3A = arith.constant dense<0.000000e+00> : vector<512x16xf32>
    %dot_general3A_10 = tpu.matmul %get3A_6, %get3A_9, %dot_general3A {dimension_numbers = #tpu.dot_dimension_numbers<[1], [1], [0], [0], [0, 0, 1, 0], [], []>, transpose_lhs_hint = false} : vector<512x128xf32>, vector<16x128xf32>, vector<512x16xf32> -> vector<512x16xf32>
    %mul3A = arith.constant 1.250000e-01 : f32
    %mul3A_11 = vector.broadcast %mul3A : f32 to vector<512x16xf32>
    %mul3A_12 = arith.mulf %dot_general3A_10, %mul3A_11 : vector<512x16xf32>
    %gt3A = arith.constant 0.000000e+00 : f32
    %gt3A_13 = vector.broadcast %gt3A : f32 to vector<1x16xf32>
    %gt3A_14 = arith.cmpf ogt, %get3A_3, %gt3A_13 : vector<1x16xf32>
    %jit3A = arith.constant -1.000000e+30 : f32
    %broadcast_in_dim3A = vector.shape_cast %gt3A_14 : vector<1x16xi1> to vector<1x16xi1>
    %broadcast_in_dim3A_15 = vector.broadcast %broadcast_in_dim3A : vector<1x16xi1> to vector<512x16xi1>
    %broadcast_in_dim3A_16 = vector.broadcast %jit3A : f32 to vector<512x16xf32>
    %select_n3A = arith.select %broadcast_in_dim3A_15, %mul3A_12, %broadcast_in_dim3A_16 : vector<512x16xi1>, vector<512x16xf32>
    %reduce_max3A = arith.constant dense<0xFF800000> : vector<512xf32>
    %reduce_max3A_17 = vector.multi_reduction <maximumf>, %select_n3A, %reduce_max3A [1] : vector<512x16xf32> to vector<512xf32>
    %broadcast_in_dim3A_18 = vector.shape_cast %reduce_max3A_17 : vector<512xf32> to vector<512x1xf32>
    %sub3A = vector.broadcast %broadcast_in_dim3A_18 : vector<512x1xf32> to vector<512x16xf32>
    %sub3A_19 = arith.subf %select_n3A, %sub3A : vector<512x16xf32>
    %exp3A = math.exp %sub3A_19 : vector<512x16xf32>
    %mul3A_20 = vector.broadcast %get3A_3 : vector<1x16xf32> to vector<512x16xf32>
    %mul3A_21 = arith.mulf %exp3A, %mul3A_20 : vector<512x16xf32>
    %reduce_sum3A = arith.constant dense<0.000000e+00> : vector<512xf32>
    %reduce_sum3A_22 = vector.multi_reduction <add>, %mul3A_21, %reduce_sum3A [1] : vector<512x16xf32> to vector<512xf32>
    %broadcast_in_dim3A_23 = vector.shape_cast %reduce_sum3A_22 : vector<512xf32> to vector<512x1xf32>
    %get3A_24 = arith.constant 0 : index
    %get3A_25 = arith.constant 0 : index
    %get3A_26 = vector.load %arg8[%get3A_24, %get3A_25] : memref<16x256xf32, #tpu.memory_space<vmem>>, vector<16x256xf32>
    %dot_general3A_27 = arith.constant dense<0.000000e+00> : vector<512x256xf32>
    %dot_general3A_28 = tpu.matmul %mul3A_21, %get3A_26, %dot_general3A_27 {dimension_numbers = #tpu.dot_dimension_numbers<[1], [0], [0], [1], [0, 0, 1, 1], [], []>, transpose_lhs_hint = false} : vector<512x16xf32>, vector<16x256xf32>, vector<512x256xf32> -> vector<512x256xf32>
    %div3A = vector.broadcast %broadcast_in_dim3A_23 : vector<512x1xf32> to vector<512x256xf32>
    %div3A_29 = arith.divf %dot_general3A_28, %div3A : vector<512x256xf32>
    %mul3A_30 = arith.constant 5.000000e-01 : f32
    %mul3A_31 = vector.broadcast %mul3A_30 : f32 to vector<512x256xf32>
    %mul3A_32 = arith.mulf %div3A_29, %mul3A_31 : vector<512x256xf32>
    %mul3A_33 = arith.constant 0.707106769 : f32
    %mul3A_34 = vector.broadcast %mul3A_33 : f32 to vector<512x256xf32>
    %mul3A_35 = arith.mulf %div3A_29, %mul3A_34 : vector<512x256xf32>
    %erf3A = math.erf %mul3A_35 : vector<512x256xf32>
    %add3A = arith.constant 1.000000e+00 : f32
    %add3A_36 = vector.broadcast %add3A : f32 to vector<512x256xf32>
    %add3A_37 = arith.addf %add3A_36, %erf3A : vector<512x256xf32>
    %mul3A_38 = arith.mulf %mul3A_32, %add3A_37 : vector<512x256xf32>
    %get3A_39 = arith.constant 0 : index
    %get3A_40 = arith.constant 0 : index
    %get3A_41 = vector.load %arg6[%get3A_39, %get3A_40] : memref<4096x256xf32, #tpu.memory_space<vmem>>, vector<4096x256xf32>
    %dot_general3A_42 = arith.constant dense<0.000000e+00> : vector<512x4096xf32>
    %dot_general3A_43 = tpu.matmul %mul3A_38, %get3A_41, %dot_general3A_42 {dimension_numbers = #tpu.dot_dimension_numbers<[1], [1], [0], [0], [0, 0, 1, 0], [], []>, transpose_lhs_hint = false} : vector<512x256xf32>, vector<4096x256xf32>, vector<512x4096xf32> -> vector<512x4096xf32>
    %swap3A = arith.constant 0 : index
    %swap3A_44 = arith.constant 0 : index
    %swap3A_45 = vector.load %arg7[%swap3A, %swap3A_44] : memref<512x4096xf32, #tpu.memory_space<vmem>>, vector<512x4096xf32>
    tpu.vector_store %arg7[%swap3A, %swap3A_44], %dot_general3A_43 {strides = array<i32>} : memref<512x4096xf32, #tpu.memory_space<vmem>>, vector<512x4096xf32>,
    return
  }
  func.func @transform_0(%arg0: i32) -> (i32, i32) {
    %c0_i32 = arith.constant 0 : i32
    %c0_i32_0 = arith.constant 0 : i32
    return %arg0, %c0_i32 : i32, i32
  }
  func.func @transform_1(%arg0: i32) -> (i32, i32) {
    %c0_i32 = arith.constant 0 : i32
    %c0_i32_0 = arith.constant 0 : i32
    %c0_i32_1 = arith.constant 0 : i32
    return %c0_i32, %c0_i32_0 : i32, i32
  }
  func.func @transform_2(%arg0: i32) -> (i32, i32) {
    %c0_i32 = arith.constant 0 : i32
    %c0_i32_0 = arith.constant 0 : i32
    %c0_i32_1 = arith.constant 0 : i32
    return %c0_i32, %c0_i32_0 : i32, i32
  }
  func.func @transform_3(%arg0: i32) -> (i32, i32) {
    %c0_i32 = arith.constant 0 : i32
    %c0_i32_0 = arith.constant 0 : i32
    %c0_i32_1 = arith.constant 0 : i32
    return %c0_i32, %c0_i32_0 : i32, i32
  }
  func.func @transform_4(%arg0: i32) -> (i32, i32) {
    %c0_i32 = arith.constant 0 : i32
    %c0_i32_0 = arith.constant 0 : i32
    %c0_i32_1 = arith.constant 0 : i32
    return %c0_i32, %c0_i32_0 : i32, i32
  }
  func.func @transform_5(%arg0: i32) -> (i32, i32) {
    %c0_i32 = arith.constant 0 : i32
    %c0_i32_0 = arith.constant 0 : i32
    %c0_i32_1 = arith.constant 0 : i32
    return %c0_i32, %c0_i32_0 : i32, i32
  }
  func.func @transform_6(%arg0: i32) -> (i32, i32) {
    %c0_i32 = arith.constant 0 : i32
    %c0_i32_0 = arith.constant 0 : i32
    return %arg0, %c0_i32 : i32, i32
  }
}

</mosaic_0001>

<sc_bundles>
// kernel: kernel.5.cloned.1.call-start
scs
__scs_entry_jumppad:
0x0: {  	(pc) =	sbr.rel $0x88, $3  }
0x1: {  	(tag) =	ssettag $0x0;
	lr =	simm.s32 $0x1  }
0x2: {  	[smem:$0x3F9A] =	sst lr;
	_ =	strace $0xD0000000  }
0x3: {  	_ = 	snop  }
0x4: {  	_ = 	snop  }
0x5: {  	_ = 	snop  }
0x6: {  	_ = 	snop  }
0x7: {  	_ = 	snop  }
__scs_overlays_trampoline_lowered:
0x8: {  	[smem:$0x3FA9] =	sst s0  }
0x9: {  	[smem:$0x3FAA] =	sst s1  }
0xa: {  	[smem:$0x3FAB] =	sst s2  }
0xb: {  	[smem:$0x3FAC] =	sst s3  }
0xc: {  	[smem:$0x3FAD] =	sst s4  }
0xd: {  	[smem:$0x3FAE] =	sst s5  }
0xe: {  	[smem:$0x3FAF] =	sst s6  }
0xf: {  	[smem:$0x3FB0] =	sst s7  }
0x10: {  	[smem:$0x3FB1] =	sst s8  }
0x11: {  	[smem:$0x3FB2] =	sst s9;
	s0 =	simm.s32 @!p0 $0x0  }
0x12: {  	s1 =	sld [smem:$0x3F98];
	s0 =	simm.s32 @p0 $0x1  }
0x13: {  	[smem:$0x3FB3] =	sst s0;
	s0 =	simm.s32 @!p1 $0x0  }
0x14: {  	s2 =	sld [smem:$0x3F97];
	s0 =	simm.s32 @p1 $0x1  }
0x15: {  	[smem:$0x3FB4] =	sst s0;
	s0 =	simm.s32 @!p2 $0x0  }
0x16: {  	s3 =	sld [smem:$0x3FDB];
	s0 =	simm.s32 @p2 $0x1  }
0x17: {  	s4 =	simm.s32 $0x1BF5;
	[smem:$0x3FB6] =	sst s0  }
0x18: {  	s0 =	sld [smem:$0x3F99];
	_ =	swait.ge [sflag:s4], $0x0  }
0x19: {  	s7 =	sld [smem:$0x3F9A]  }
0x1a: {  	s8 =	sadd.s32 $0xFFFFE003, lr  }
0x1b: {  	s9 =	sadd.s32 $0xFFFFFEF7, lr;
	s5 =	simm.s32 $0xFFFFFFFF;
	p2 =	slt.u32 s8, $0xFFFFF086  }
0x1c: {  	p1 =	slt.u32 s9, $0xF7A;
	s5 =	simm.s32 @!p2 $0x0  }
0x1d: {  	s5 =	simm.s32 @p1 $0x1;
	p0 =	seq.s32 s7, s2  }
0x1e: {  	s7 =	smul.u32 @!p0 $0xF7A, s2;
	p2 =	seq.s32 @!p0 s5, $0x0  }
0x1f: {  	s9 =	smul.u32 $0xF7A, s1;
	s8 =	simm.s32 @!p0 $0x1BF5;
	p2 =	por !p2, p0  }
0x20: {  	[sflag:s8] =	ssyncset.s32 @!p0 $0xFFFFF086;
	s6 =	sadd.s32 @!p0 s3, s7;
	s7 =	simm.s32 @!p0 $0x108  }
0x21: {  	s3 =	sadd.s32 s3, s9;
	s6 =	sadd.s32 @!p0 $0x88, s6;
	s7 =	simm.s32 @p2 $0x1082  }
0x22: {  	[simem:s7], [sflag:s8] =	dma.local @!p0 [hbm:s6], $0xF7A  }
0x23: {  	s9 =	sor.u32 $0xD0000000, s2;
	s6 =	simm.s32 $0x108;
	_ =	swait.ge @!p0 [sflag:s8], $0x0  }
0x24: {  	s3 =	sadd.s32 $0x88, s3;
	s6 =	simm.s32 @!p1 $0x1082;
	[sflag:s4] =	ssyncset.s32 $0xFFFFF086  }
0x25: {  	[simem:s6], [sflag:s4] =	dma.local [hbm:s3], $0xF7A  }
0x26: {  	[smem:$0x3F9A] =	sst s1;
	(tag) =	ssettag s2;
	_ =	strace s9  }
0x27: {  	s1 =	sld [smem:$0x3FAA]  }
0x28: {  	s2 =	sld [smem:$0x3FAB]  }
0x29: {  	s4 =	sld [smem:$0x3FAD]  }
0x2a: {  	p0 =	seq.s32 s5, $0x0;
	s5 =	sld [smem:$0x3FAE]  }
0x2b: {  	s6 =	sld [smem:$0x3FAF]  }
0x2c: {  	s7 =	sld [smem:$0x3FB0]  }
0x2d: {  	s3 =	simm.s32 $0x108;
	s8 =	sld [smem:$0x3FB1]  }
0x2e: {  	s3 =	simm.s32 @!p0 $0x1082;
	s9 =	sld [smem:$0x3FB2]  }
0x2f: {  	lr =	sadd.s32 s0, s3;
	s0 =	sld [smem:$0x3FA9]  }
0x30: {  	s3 =	sld [smem:$0x3FAC]  }
0x31: {  	[smem:$0x3FB5] =	sst s10  }
0x32: {  	s10 =	sld [smem:$0x3FB3];
	_ =	sdelay $0x3  }
0x33: {  	p0 =	seq.s32 s10, $0x1;
	s10 =	sld [smem:$0x3FB5];
	_ =	sdelay $0x3  }
0x34: {  	[smem:$0x3FB5] =	sst s10  }
0x35: {  	s10 =	sld [smem:$0x3FB4];
	_ =	sdelay $0x3  }
0x36: {  	p1 =	seq.s32 s10, $0x1;
	s10 =	sld [smem:$0x3FB5];
	_ =	sdelay $0x3  }
0x37: {  	[smem:$0x3FB5] =	sst s10  }
0x38: {  	s10 =	sld [smem:$0x3FB6]  }
0x39: {  	_ = 	snop;
	(pc) =	sbr.ind lr, $3  }
0x3a: {  	_ = 	snop  }
0x3b: {  	_ = 	snop  }
0x3c: {  	p2 =	seq.s32 s10, $0x1;
	s10 =	sld [smem:$0x3FB5]  }
0x3d: {  	_ =	shalt  }
0x3e: {  	_ =	shalt  }
0x3f: {  	_ =	shalt  }
0x40: {  	_ =	shalt  }
0x41: {  	_ =	shalt  }
0x42: {  	_ =	shalt  }
0x43: {  	_ =	shalt  }
0x44: {  	_ =	shalt  }
0x45: {  	_ =	shalt  }
0x46: {  	_ =	shalt  }
0x47: {  	_ =	shalt  }
0x48: {  	_ =	shalt  }
0x49: {  	_ =	shalt  }
0x4a: {  	_ =	shalt  }
0x4b: {  	_ =	shalt  }
0x4c: {  	_ =	shalt  }
0x4d: {  	_ =	shalt  }
0x4e: {  	_ =	shalt  }
0x4f: {  	_ =	shalt  }
0x50: {  	_ =	shalt  }
0x51: {  	_ =	shalt  }
0x52: {  	_ =	shalt  }
0x53: {  	_ =	shalt  }
0x54: {  	_ =	shalt  }
0x55: {  	_ =	shalt  }
0x56: {  	_ =	shalt  }
0x57: {  	_ =	shalt  }
0x58: {  	_ =	shalt  }
0x59: {  	_ =	shalt  }
0x5a: {  	_ =	shalt  }
0x5b: {  	_ =	shalt  }
0x5c: {  	_ =	shalt  }
0x5d: {  	_ =	shalt  }
0x5e: {  	_ =	shalt  }
0x5f: {  	_ =	shalt  }
0x60: {  	_ =	shalt  }
0x61: {  	_ =	shalt  }
0x62: {  	_ =	shalt  }
0x63: {  	_ =	shalt  }
0x64: {  	_ =	shalt  }
0x65: {  	_ =	shalt  }
0x66: {  	_ =	shalt  }
0x67: {  	_ =	shalt  }
0x68: {  	_ =	shalt  }
0x69: {  	_ =	shalt  }
0x6a: {  	_ =	shalt  }
0x6b: {  	_ =	shalt  }
0x6c: {  	_ =	shalt  }
0x6d: {  	_ =	shalt  }
0x6e: {  	_ =	shalt  }
0x6f: {  	_ =	shalt  }
0x70: {  	_ =	shalt  }
0x71: {  	_ =	shalt  }
0x72: {  	_ =	shalt  }
0x73: {  	_ =	shalt  }
0x74: {  	_ =	shalt  }
0x75: {  	_ =	shalt  }
0x76: {  	_ =	shalt  }
0x77: {  	_ =	shalt  }
0x78: {  	_ =	shalt  }
0x79: {  	_ =	shalt  }
0x7a: {  	_ =	shalt  }
0x7b: {  	_ =	shalt  }
0x7c: {  	_ =	shalt  }
0x7d: {  	_ =	shalt  }
0x7e: {  	_ =	shalt  }
0x7f: {  	_ =	shalt  }
0x80: {  	_ =	shalt  }
0x81: {  	_ =	shalt  }
0x82: {  	_ =	shalt  }
0x83: {  	_ =	shalt  }
0x84: {  	_ =	shalt  }
0x85: {  	_ =	shalt  }
0x86: {  	_ =	shalt  }
0x87: {  	_ =	shalt  }
.Lfunc_end0:
.L_simem_size_0:
called_computation_lowered:
.L_overlay_start_0:
0x88: {  	s2 =	sld [smem:$0x3FD9]  }
0x89: {  	s3 =	sld [smem:$0x3FFE];
	_ =	sdelay $0x1  }
0x8a: {  	s1 =	srdreg.scid  }
0x8b: {  	s0 =	sand.u32 $0x1, s1  }
0x8c: {  	s17 =	sshll.u32 s0, $0xA;
	s2 =	sadd.s32 s3, s2  }
0x8d: {  	s2 =	sadd.s32 s2, s17  }
0x8e: {  	[smem:$0x3FC1] =	sst s2  }
0x8f: {  	_ = 	snop  }
0x90: {  	s2 =	sld [smem:$0x3FC7]  }
0x91: {  	s18 =	sld [smem:$0x3FD0];
	(tm) =	ssettm $0x1  }
0x92: {  	s4 =	sld [smem:$0x3FFB];
	_ =	sdelay $0x3  }
0x93: {  	_ =	strace s4  }
0x94: {  	s4 =	sld [smem:$0x3FFC];
	_ =	sdelay $0x3  }
0x95: {  	_ =	strace s4  }
0x96: {  	s4 =	sld [smem:$0x3FFD];
	_ =	sdelay $0x3  }
0x97: {  	_ =	strace s4  }
0x98: {  	_ =	strace $0x8FFFFFFF  }
0x99: {  	s19 =	sld [smem:$0x3FDB];
	_ =	sdelay $0x1  }
0x9a: {  	s5 =	simm.s32 $_scs_section_size  }
0x9b: {  	s6 =	simm.s32 $_size__tile_overlayer_lowered;
	s7 =	simm.s32 $_tile_overlayer_lowered  }
0x9c: {  	s22 =	simm.s32 $0x1BFF;
	s21 =	sshll.u32 s7, $0x1;
	s4 =	sadd.s32 s5, s19  }
0x9d: {  	s8 =	simm.s32 $0x0;
	s20 =	sshll.u32 s6, $0x1;
	s6 =	sadd.s32 s21, s4  }
0x9e: {  	[timem:s8], [sflag:s22] =	dma.local [hbm:s6], s20  }
0x9f: {  	_ =	swait.ge [sflag:s22], s20  }
0xa0: {  	s5 =	ssub.s32 $0x0, s20;
	[sflag:s22] =	ssyncset.done $0x0  }
0xa1: {  	[sflag:s22] =	ssyncadd.s32 s5;
	_ =	sdelay $0x1  }
0xa2: {  	s23 =	simm.s32 $0x1B8B  }
0xa3: {  	_ =	swait.ge [sflag:s23], $0x1  }
0xa4: {  	[sflag:s23] =	ssyncset.done $0x0  }
0xa5: {  	s25 =	simm.s32 $0x1B8E;
	s24 =	sld [smem:$0x3FFE];
	[sflag:s23] =	ssyncadd.s32 $0xFFFFFFFF  }
0xa6: {  	s26 =	simm.s32 $execute0_lowered;
	[smem:$0x3FD2] =	sst s25  }
0xa7: {  	s6 =	sshll.u32 s26, $0x1;
	_ =	strace $0x80000046;
	[dreg:$0x1] =	wrdreg $0xFFFFFFFF  }
0xa8: {  	s28 =	simm.s32 $_size_execute0_lowered;
	s4 =	sadd.s32 s4, s6;
	[dreg:$0x0] =	wrdreg $0x0  }
0xa9: {  	s6 =	sshll.u32 s28, $0x1;
	[dreg:$0x2] =	wrdreg s4  }
0xaa: {  	[dreg:$0x3] =	wrdreg s6  }
0xab: {  	[dreg:$0x4] =	wrdreg $0xC0  }
0xac: {  	_ =	task [dreg:s8], $0x5FFFF  }
0xad: {  	[dreg:$0x1] =	wrdreg $0xFFFFFFFF  }
0xae: {  	[dreg:$0x0] =	wrdreg $0x60  }
0xaf: {  	[dreg:$0x2] =	wrdreg s24  }
0xb0: {  	[dreg:$0x3] =	wrdreg s18  }
0xb1: {  	[dreg:$0x4] =	wrdreg s2  }
0xb2: {  	[dreg:$0x5] =	wrdreg $0x9  }
0xb3: {  	_ =	task.clear_ibuf [dreg:s8], $0x6FFFF;
	_ =	strace $0x90000046  }
0xb4: {  	s29 =	simm.s32 $0x9;
	_ =	strace $0x80000048  }
0xb5: {  	_ =	swait.ge [sflag:s29], $0x1  }
0xb6: {  	[sflag:s29] =	ssyncadd.s32 $0xFFFFFFFF  }
0xb7: {  	_ =	strace $0x90000048  }
0xb8: {  	_ =	sfence  }
0xb9: {  	s30 =	sld [smem:$0x0];
	_ =	sdelay $0x2  }
0xba: {  	s31 =	sshll.u32 s1, $0xD;
	s1 =	sshrl.u32 s1, $0x2  }
0xbb: {  	s3 =	sand.u32 $0x4000, s31;
	s1 =	sadd.s32 s1, s30  }
0xbc: {  	s0 =	sor.u32 s3, s0;
	s1 =	sshll.u32 s1, $0x11  }
0xbd: {  	s0 =	sor.u32 s1, s0  }
0xbe: {  	s0 =	sadd.s32 $0x8F2B, s0  }
0xbf: {  	[sflag:s0] =	ssyncadd.remote.s32 $0x1  }
0xc0: {  	_ =	sfence.sel $0xFFFF  }
0xc1: {  	[dreg:$0x0] =	wrdreg $0xFFFFFFFF;
	(pc) =	sbr.abs _section_cstart, $3  }
0xc2: {  	[dreg:$0x1] =	wrdreg $0xFFFFFFFF  }
0xc3: {  	_ =	task.clear_ibuf [dreg:s8], $0x2FFFF;
	_ =	strace $0x9FFFFFFF  }
0xc4: {  	(tm) =	ssettm $0x7FFFFFFF  }
0xc5: {  	_ =	shalt  }
tec
execute0_lowered:
.L_overlay_start_1:
0x0: {  	(tag) =	ssettag $0x1  }
0x1: {  	s1 =	srdreg.scid  }
0x2: {  	s2 =	stileid.u32;
	s1 =	sand.u32 $0x1, s1  }
0x3: {  	s2 =	sor.u32 s2, s1  }
0x4: {  	p0 =	sne.s32 s2, $0x0  }
.Ltmp0:
0x5: {  	_ = 	snop;
	(pc) =	sbr.rel @p0 .LBB2_51-.Ltmp0, $3  }
0x6: {  	_ =	sdelay $0x1  }
0x7: {  	s0 =	rddreg [dreg:$0x0]  }
0x8: {  	s3 =	rddreg [dreg:$0x2];
	_ =	strace $0x80000047  }
0x9: {  	s2 =	sadd.s32 $0x1A00, s0  }
0xa: {  	s5 =	sadd.s32 $0x1800, s0;
	s6 =	sadd.s32 $0x3C00, s0;
	s1 =	ssub.s32 $0x2, s1  }
0xb: {  	s7 =	sadd.s32 $0x1C00, s0;
	s8 =	sadd.s32 $0x3E00, s0;
	s10 =	sadd.s32 $0x100, s3  }
0xc: {  	s11 =	sadd.s32 $0x200, s3;
	s12 =	sadd.s32 $0x300, s3;
	s13 =	sadd.s32 $0x400, s3  }
0xd: {  	s14 =	sadd.s32 $0x500, s3;
	s15 =	sadd.s32 $0x600, s3;
	s16 =	sadd.s32 $0x700, s3  }
0xe: {  	s17 =	sadd.s32 $0x800, s3;
	s18 =	sadd.s32 $0x900, s3;
	s19 =	sadd.s32 $0xA00, s3  }
0xf: {  	s20 =	sadd.s32 $0xB00, s3;
	s21 =	sadd.s32 $0xC00, s3;
	s22 =	sadd.s32 $0xD00, s3  }
0x10: {  	s23 =	sadd.s32 $0xE00, s3;
	s24 =	sadd.s32 $0xF00, s3;
	s25 =	simm.s32 $0x0;
	v0 =	vlaneseq.u32  }
0x11: {  	s26 =	simm.s32 $0x2;
	s28 =	simm.s32 $0x400;
	s31 =	simm.s32 $0x880;
	vm0 =	vcmask $0x300;
	vm1 =	vcmask $0x320;
	vm2 =	vcmask $0x720  }
0x12: {  	s0 =	simm.s32 $0x1080;
	vm3 =	vcmask $0xB20;
	vm4 =	vcmask $0xF20;
	vm5 =	vcmask $0x1320;
	s29 =	simm.s32 $0x0;
	s30 =	sshrl.u32 s1, $0x1  }
0x13: {  	vm6 =	vcmask $0x1720;
	vm7 =	vcmask $0x1B20;
	vm8 =	vmmov $0xffff;
	[dreg:$0x4] =	wrdreg s2;
	s9 =	ssub.s32 s1, s30;
	s1 =	simm.s32 $0x1  }
.LBB2_2:
0x14: {  	s2 =	rddreg [dreg:$0x4]  }
0x15: {  	[tilespmem:s25], [sflag:$0x2] =	stream.linear.gather [hbm4b:s2+s25], $0x400, $0x38;
	[tilespmem:$0x11100] =	vst v63  }
0x16: {  	_ =	swait.ge [sflag:s26], $0x400  }
0x17: {  	[sflag:s26] =	ssyncset.done $0x0  }
0x18: {  	[sflag:s26] =	ssyncadd.s32 $0xFFFFFC00  }
0x19: {  	[tilespmem:s28], [sflag:$0x2] =	stream.linear.gather [hbm4b:s5+s25], $0x400, $0x38;
	[tilespmem:$0x11100] =	vst v63  }
0x1a: {  	_ =	swait.ge [sflag:s26], $0x400  }
0x1b: {  	[sflag:s26] =	ssyncset.done $0x0  }
0x1c: {  	s4 =	simm.s32 $0x0;
	[sflag:s26] =	ssyncadd.s32 $0xFFFFFC00  }
0x1d: {  	v1 =	vimm.f32 $-3.000000010e+38;
	s2 =	simm.s32 $0x40;
	v2 =	vld [tilespmem:s4+$0x0]  }
.LBB2_3:
0x1e: {  	p0 =	sne.s32 s2, $0xFC0  }
.Ltmp1:
0x1f: {  	_ = 	snop;
	(pc) =	sbr.rel @p0 .LBB2_3-.Ltmp1, $3  }
0x20: {  	_ =	sdelay $0x1  }
0x21: {  	s4 =	sshra.s32 s2, $0x2;
	s2 =	sadd.s32 $0x40, s2;
	v1 =	vmax.f32 v1, v2  }
0x22: {  	v2 =	vld [tilespmem:s4+$0x0]  }
0x23: {  	_ =	sdelay $0x3  }
0x24: {  	v1 =	vmax.f32 v1, v2  }
0x25: {  	(xrf0) =	vmax.scan.msk.f32 $0xffff, v1;
	_ =	sdelay $0x2  }
0x26: {  	s4 =	simm.s32 $0x0  }
0x27: {  	v3 =	vld [tilespmem:s4+$0x0];
	_ =	sdelay $0x1  }
0x28: {  	v1, _, _ =	vpop (xrf0)  }
0x29: {  	v2 =	vbroadcast v1, $0xF;
	_ =	sdelay $0x1  }
0x2a: {  	s2 =	simm.s32 $0x10;
	v1 =	vimm.s32 $0x400;
	vm9 =	veq.f32 v3, v2;
	v3 =	vor.u32 s4, v0;
	s4 =	simm.s32 $0x10  }
.LBB2_5:
0x2b: {  	v4 =	vld [tilespmem:s4+$0x0];
	p0 =	sne.s32 s2, $0x3F0;
	v3 =	vnsel vm9, $0x400, v3;
	s30 =	smov.u32 s2;
	s2 =	sadd.s32 $0x10, s2  }
.Ltmp2:
0x2c: {  	vm9 =	vlt.s32 v1, v3;
	(pc) =	sbr.rel @p0 .LBB2_5-.Ltmp2, $2  }
0x2d: {  	v1 =	vsel vm9, v1, v3;
	_ =	sdelay $0x2  }
0x2e: {  	s4 =	sadd.s32 $0x10, s4;
	v3 =	vor.u32 s30, v0;
	vm9 =	veq.f32 v4, v2  }
0x2f: {  	v2 =	vnsel vm9, $0x400, v3  }
0x30: {  	vm9 =	vlt.s32 v1, v2  }
0x31: {  	v1 =	vsel vm9, v1, v2  }
0x32: {  	v1 =	vxor.u32 $0x80000000, v1  }
0x33: {  	(xrf0) =	vmin.scan.msk.u32 $0xffff, v1;
	_ =	sdelay $0x5  }
0x34: {  	v1, _, _ =	vpop (xrf0)  }
0x35: {  	(v2sf) =	vpush v1, $0xF;
	_ =	sdelay $0xe  }
0x36: {  	s2 =	spop (v2sf)  }
0x37: {  	s4 =	sxor.u32 $0x80000000, s2;
	s2 =	simm.s32 $0x0  }
0x38: {  	s30 =	simm.s32 $0x0;
	v1 =	vmov s4;
	v2 =	vld [tilespmem:s2+$0x0];
	s4 =	simm.s32 $0x10  }
.LBB2_7:
0x39: {  	p0 =	sne.s32 s4, $0x3F0;
	_ =	sdelay $0x1  }
.Ltmp3:
0x3a: {  	v3 =	vor.u32 s2, v0;
	s2 =	smov.u32 s4;
	(pc) =	sbr.rel @p0 .LBB2_7-.Ltmp3, $4  }
0x3b: {  	vm9 =	veq.s32 v3, v1  }
0x3c: {  	v2 =	vsel vm9, $0xFF61B1E6, v2  }
0x3d: {  	[tilespmem:s30+$0x0] =	vst v2;
	s30 =	sadd.s32 $0x10, s30  }
0x3e: {  	s4 =	sadd.s32 $0x10, s4;
	v2 =	vld [tilespmem:s30+$0x0]  }
0x3f: {  	_ =	sdelay $0x1  }
0x40: {  	v3 =	vor.u32 s2, v0  }
0x41: {  	vm9 =	veq.s32 v3, v1  }
0x42: {  	v2 =	vsel vm9, $0xFF61B1E6, v2  }
0x43: {  	s4 =	simm.s32 $0x0;
	[tilespmem:s30+$0x0] =	vst v2  }
0x44: {  	s2 =	simm.s32 $0x40;
	v2 =	vimm.f32 $-3.000000010e+38;
	v3 =	vld [tilespmem:s4+$0x0]  }
.LBB2_9:
0x45: {  	p0 =	sne.s32 s2, $0xFC0  }
.Ltmp4:
0x46: {  	_ = 	snop;
	(pc) =	sbr.rel @p0 .LBB2_9-.Ltmp4, $3  }
0x47: {  	_ =	sdelay $0x1  }
0x48: {  	s4 =	sshra.s32 s2, $0x2;
	s2 =	sadd.s32 $0x40, s2;
	v2 =	vmax.f32 v2, v3  }
0x49: {  	v3 =	vld [tilespmem:s4+$0x0]  }
0x4a: {  	_ =	sdelay $0x3  }
0x4b: {  	v2 =	vmax.f32 v2, v3  }
0x4c: {  	(xrf0) =	vmax.scan.msk.f32 $0xffff, v2;
	_ =	sdelay $0x2  }
0x4d: {  	s4 =	simm.s32 $0x0  }
0x4e: {  	v4 =	vld [tilespmem:s4+$0x0];
	_ =	sdelay $0x1  }
0x4f: {  	v2, _, _ =	vpop (xrf0)  }
0x50: {  	v3 =	vbroadcast v2, $0xF;
	_ =	sdelay $0x1  }
0x51: {  	s2 =	simm.s32 $0x10;
	v2 =	vimm.s32 $0x400;
	vm9 =	veq.f32 v4, v3;
	v4 =	vor.u32 s4, v0;
	s4 =	simm.s32 $0x10  }
.LBB2_11:
0x52: {  	v5 =	vld [tilespmem:s4+$0x0];
	p0 =	sne.s32 s2, $0x3F0;
	v4 =	vnsel vm9, $0x400, v4;
	s30 =	smov.u32 s2;
	s2 =	sadd.s32 $0x10, s2  }
.Ltmp5:
0x53: {  	vm9 =	vlt.s32 v2, v4;
	(pc) =	sbr.rel @p0 .LBB2_11-.Ltmp5, $2  }
0x54: {  	v2 =	vsel vm9, v2, v4;
	_ =	sdelay $0x2  }
0x55: {  	s4 =	sadd.s32 $0x10, s4;
	v4 =	vor.u32 s30, v0;
	vm9 =	veq.f32 v5, v3  }
0x56: {  	v3 =	vnsel vm9, $0x400, v4  }
0x57: {  	vm9 =	vlt.s32 v2, v3  }
0x58: {  	v2 =	vsel vm9, v2, v3  }
0x59: {  	v2 =	vxor.u32 $0x80000000, v2  }
0x5a: {  	(xrf0) =	vmin.scan.msk.u32 $0xffff, v2;
	_ =	sdelay $0x5  }
0x5b: {  	v2, _, _ =	vpop (xrf0)  }
0x5c: {  	(v2sf) =	vpush v2, $0xF;
	_ =	sdelay $0xe  }
0x5d: {  	s2 =	spop (v2sf)  }
0x5e: {  	s4 =	sxor.u32 $0x80000000, s2;
	s2 =	simm.s32 $0x0  }
0x5f: {  	s30 =	simm.s32 $0x0;
	v2 =	vmov s4;
	v3 =	vld [tilespmem:s2+$0x0];
	s4 =	simm.s32 $0x10  }
.LBB2_13:
0x60: {  	p0 =	sne.s32 s4, $0x3F0;
	_ =	sdelay $0x1  }
.Ltmp6:
0x61: {  	v4 =	vor.u32 s2, v0;
	s2 =	smov.u32 s4;
	(pc) =	sbr.rel @p0 .LBB2_13-.Ltmp6, $4  }
0x62: {  	vm9 =	veq.s32 v4, v2  }
0x63: {  	v3 =	vsel vm9, $0xFF61B1E6, v3  }
0x64: {  	[tilespmem:s30+$0x0] =	vst v3;
	s30 =	sadd.s32 $0x10, s30  }
0x65: {  	s4 =	sadd.s32 $0x10, s4;
	v3 =	vld [tilespmem:s30+$0x0]  }
0x66: {  	_ =	sdelay $0x1  }
0x67: {  	v4 =	vor.u32 s2, v0  }
0x68: {  	vm9 =	veq.s32 v4, v2  }
0x69: {  	v3 =	vsel vm9, $0xFF61B1E6, v3  }
0x6a: {  	s4 =	simm.s32 $0x0;
	[tilespmem:s30+$0x0] =	vst v3  }
0x6b: {  	s2 =	simm.s32 $0x40;
	v3 =	vimm.f32 $-3.000000010e+38;
	v4 =	vld [tilespmem:s4+$0x0]  }
.LBB2_15:
0x6c: {  	p0 =	sne.s32 s2, $0xFC0  }
.Ltmp7:
0x6d: {  	_ = 	snop;
	(pc) =	sbr.rel @p0 .LBB2_15-.Ltmp7, $3  }
0x6e: {  	_ =	sdelay $0x1  }
0x6f: {  	s4 =	sshra.s32 s2, $0x2;
	s2 =	sadd.s32 $0x40, s2;
	v3 =	vmax.f32 v3, v4  }
0x70: {  	v4 =	vld [tilespmem:s4+$0x0]  }
0x71: {  	_ =	sdelay $0x3  }
0x72: {  	v3 =	vmax.f32 v3, v4  }
0x73: {  	(xrf0) =	vmax.scan.msk.f32 $0xffff, v3;
	_ =	sdelay $0x2  }
0x74: {  	s4 =	simm.s32 $0x0  }
0x75: {  	v5 =	vld [tilespmem:s4+$0x0];
	_ =	sdelay $0x1  }
0x76: {  	v3, _, _ =	vpop (xrf0)  }
0x77: {  	v4 =	vbroadcast v3, $0xF;
	_ =	sdelay $0x1  }
0x78: {  	s2 =	simm.s32 $0x10;
	v3 =	vimm.s32 $0x400;
	vm9 =	veq.f32 v5, v4;
	v5 =	vor.u32 s4, v0;
	s4 =	simm.s32 $0x10  }
.LBB2_17:
0x79: {  	v6 =	vld [tilespmem:s4+$0x0];
	p0 =	sne.s32 s2, $0x3F0;
	v5 =	vnsel vm9, $0x400, v5;
	s30 =	smov.u32 s2;
	s2 =	sadd.s32 $0x10, s2  }
.Ltmp8:
0x7a: {  	vm9 =	vlt.s32 v3, v5;
	(pc) =	sbr.rel @p0 .LBB2_17-.Ltmp8, $2  }
0x7b: {  	v3 =	vsel vm9, v3, v5;
	_ =	sdelay $0x2  }
0x7c: {  	s4 =	sadd.s32 $0x10, s4;
	v5 =	vor.u32 s30, v0;
	vm9 =	veq.f32 v6, v4  }
0x7d: {  	v4 =	vnsel vm9, $0x400, v5  }
0x7e: {  	vm9 =	vlt.s32 v3, v4  }
0x7f: {  	v3 =	vsel vm9, v3, v4  }
0x80: {  	v3 =	vxor.u32 $0x80000000, v3  }
0x81: {  	(xrf0) =	vmin.scan.msk.u32 $0xffff, v3;
	_ =	sdelay $0x5  }
0x82: {  	v3, _, _ =	vpop (xrf0)  }
0x83: {  	(v2sf) =	vpush v3, $0xF;
	_ =	sdelay $0xe  }
0x84: {  	s2 =	spop (v2sf)  }
0x85: {  	s4 =	sxor.u32 $0x80000000, s2;
	s2 =	simm.s32 $0x0  }
0x86: {  	s30 =	simm.s32 $0x0;
	v3 =	vmov s4;
	v4 =	vld [tilespmem:s2+$0x0];
	s4 =	simm.s32 $0x10  }
.LBB2_19:
0x87: {  	p0 =	sne.s32 s4, $0x3F0;
	_ =	sdelay $0x1  }
.Ltmp9:
0x88: {  	v5 =	vor.u32 s2, v0;
	s2 =	smov.u32 s4;
	(pc) =	sbr.rel @p0 .LBB2_19-.Ltmp9, $4  }
0x89: {  	vm9 =	veq.s32 v5, v3  }
0x8a: {  	v4 =	vsel vm9, $0xFF61B1E6, v4  }
0x8b: {  	[tilespmem:s30+$0x0] =	vst v4;
	s30 =	sadd.s32 $0x10, s30  }
0x8c: {  	s4 =	sadd.s32 $0x10, s4;
	v4 =	vld [tilespmem:s30+$0x0]  }
0x8d: {  	_ =	sdelay $0x1  }
0x8e: {  	v5 =	vor.u32 s2, v0  }
0x8f: {  	vm9 =	veq.s32 v5, v3  }
0x90: {  	v4 =	vsel vm9, $0xFF61B1E6, v4  }
0x91: {  	s4 =	simm.s32 $0x0;
	[tilespmem:s30+$0x0] =	vst v4  }
0x92: {  	s2 =	simm.s32 $0x40;
	v4 =	vimm.f32 $-3.000000010e+38;
	v5 =	vld [tilespmem:s4+$0x0]  }
.LBB2_21:
0x93: {  	p0 =	sne.s32 s2, $0xFC0  }
.Ltmp10:
0x94: {  	_ = 	snop;
	(pc) =	sbr.rel @p0 .LBB2_21-.Ltmp10, $3  }
0x95: {  	_ =	sdelay $0x1  }
0x96: {  	s4 =	sshra.s32 s2, $0x2;
	s2 =	sadd.s32 $0x40, s2;
	v4 =	vmax.f32 v4, v5  }
0x97: {  	v5 =	vld [tilespmem:s4+$0x0]  }
0x98: {  	_ =	sdelay $0x3  }
0x99: {  	v4 =	vmax.f32 v4, v5  }
0x9a: {  	(xrf0) =	vmax.scan.msk.f32 $0xffff, v4;
	_ =	sdelay $0x2  }
0x9b: {  	s4 =	simm.s32 $0x0  }
0x9c: {  	v6 =	vld [tilespmem:s4+$0x0];
	_ =	sdelay $0x1  }
0x9d: {  	v4, _, _ =	vpop (xrf0)  }
0x9e: {  	v5 =	vbroadcast v4, $0xF;
	_ =	sdelay $0x1  }
0x9f: {  	s2 =	simm.s32 $0x10;
	v4 =	vimm.s32 $0x400;
	vm9 =	veq.f32 v6, v5;
	v6 =	vor.u32 s4, v0;
	s4 =	simm.s32 $0x10  }
.LBB2_23:
0xa0: {  	v7 =	vld [tilespmem:s4+$0x0];
	p0 =	sne.s32 s2, $0x3F0;
	v6 =	vnsel vm9, $0x400, v6;
	s30 =	smov.u32 s2;
	s2 =	sadd.s32 $0x10, s2  }
.Ltmp11:
0xa1: {  	vm9 =	vlt.s32 v4, v6;
	(pc) =	sbr.rel @p0 .LBB2_23-.Ltmp11, $2  }
0xa2: {  	v4 =	vsel vm9, v4, v6;
	_ =	sdelay $0x2  }
0xa3: {  	s4 =	sadd.s32 $0x10, s4;
	v6 =	vor.u32 s30, v0;
	vm9 =	veq.f32 v7, v5  }
0xa4: {  	v5 =	vnsel vm9, $0x400, v6  }
0xa5: {  	vm9 =	vlt.s32 v4, v5  }
0xa6: {  	v4 =	vsel vm9, v4, v5  }
0xa7: {  	v4 =	vxor.u32 $0x80000000, v4  }
0xa8: {  	(xrf0) =	vmin.scan.msk.u32 $0xffff, v4;
	_ =	sdelay $0x5  }
0xa9: {  	v4, _, _ =	vpop (xrf0)  }
0xaa: {  	(v2sf) =	vpush v4, $0xF;
	_ =	sdelay $0xe  }
0xab: {  	s2 =	spop (v2sf)  }
0xac: {  	s4 =	sxor.u32 $0x80000000, s2;
	s2 =	simm.s32 $0x0  }
0xad: {  	s30 =	simm.s32 $0x0;
	v4 =	vmov s4;
	v5 =	vld [tilespmem:s2+$0x0];
	s4 =	simm.s32 $0x10  }
.LBB2_25:
0xae: {  	p0 =	sne.s32 s4, $0x3F0;
	_ =	sdelay $0x1  }
.Ltmp12:
0xaf: {  	v6 =	vor.u32 s2, v0;
	s2 =	smov.u32 s4;
	(pc) =	sbr.rel @p0 .LBB2_25-.Ltmp12, $4  }
0xb0: {  	vm9 =	veq.s32 v6, v4  }
0xb1: {  	v5 =	vsel vm9, $0xFF61B1E6, v5  }
0xb2: {  	[tilespmem:s30+$0x0] =	vst v5;
	s30 =	sadd.s32 $0x10, s30  }
0xb3: {  	s4 =	sadd.s32 $0x10, s4;
	v5 =	vld [tilespmem:s30+$0x0]  }
0xb4: {  	_ =	sdelay $0x1  }
0xb5: {  	v6 =	vor.u32 s2, v0  }
0xb6: {  	vm9 =	veq.s32 v6, v4  }
0xb7: {  	v5 =	vsel vm9, $0xFF61B1E6, v5  }
0xb8: {  	s4 =	simm.s32 $0x0;
	[tilespmem:s30+$0x0] =	vst v5  }
0xb9: {  	s2 =	simm.s32 $0x40;
	v5 =	vimm.f32 $-3.000000010e+38;
	v6 =	vld [tilespmem:s4+$0x0]  }
.LBB2_27:
0xba: {  	p0 =	sne.s32 s2, $0xFC0  }
.Ltmp13:
0xbb: {  	_ = 	snop;
	(pc) =	sbr.rel @p0 .LBB2_27-.Ltmp13, $3  }
0xbc: {  	_ =	sdelay $0x1  }
0xbd: {  	s4 =	sshra.s32 s2, $0x2;
	s2 =	sadd.s32 $0x40, s2;
	v5 =	vmax.f32 v5, v6  }
0xbe: {  	v6 =	vld [tilespmem:s4+$0x0]  }
0xbf: {  	_ =	sdelay $0x3  }
0xc0: {  	v5 =	vmax.f32 v5, v6  }
0xc1: {  	(xrf0) =	vmax.scan.msk.f32 $0xffff, v5;
	_ =	sdelay $0x2  }
0xc2: {  	s4 =	simm.s32 $0x0  }
0xc3: {  	v7 =	vld [tilespmem:s4+$0x0];
	_ =	sdelay $0x1  }
0xc4: {  	v5, _, _ =	vpop (xrf0)  }
0xc5: {  	v6 =	vbroadcast v5, $0xF;
	_ =	sdelay $0x1  }
0xc6: {  	s2 =	simm.s32 $0x10;
	v5 =	vimm.s32 $0x400;
	vm9 =	veq.f32 v7, v6;
	v7 =	vor.u32 s4, v0;
	s4 =	simm.s32 $0x10  }
.LBB2_29:
0xc7: {  	v8 =	vld [tilespmem:s4+$0x0];
	p0 =	sne.s32 s2, $0x3F0;
	v7 =	vnsel vm9, $0x400, v7;
	s30 =	smov.u32 s2;
	s2 =	sadd.s32 $0x10, s2  }
.Ltmp14:
0xc8: {  	vm9 =	vlt.s32 v5, v7;
	(pc) =	sbr.rel @p0 .LBB2_29-.Ltmp14, $2  }
0xc9: {  	v5 =	vsel vm9, v5, v7;
	_ =	sdelay $0x2  }
0xca: {  	s4 =	sadd.s32 $0x10, s4;
	v7 =	vor.u32 s30, v0;
	vm9 =	veq.f32 v8, v6  }
0xcb: {  	v6 =	vnsel vm9, $0x400, v7  }
0xcc: {  	vm9 =	vlt.s32 v5, v6  }
0xcd: {  	v5 =	vsel vm9, v5, v6  }
0xce: {  	v5 =	vxor.u32 $0x80000000, v5  }
0xcf: {  	(xrf0) =	vmin.scan.msk.u32 $0xffff, v5;
	_ =	sdelay $0x5  }
0xd0: {  	v5, _, _ =	vpop (xrf0)  }
0xd1: {  	(v2sf) =	vpush v5, $0xF;
	_ =	sdelay $0xe  }
0xd2: {  	s2 =	spop (v2sf)  }
0xd3: {  	s4 =	sxor.u32 $0x80000000, s2;
	s2 =	simm.s32 $0x0  }
0xd4: {  	s30 =	simm.s32 $0x0;
	v5 =	vmov s4;
	v6 =	vld [tilespmem:s2+$0x0];
	s4 =	simm.s32 $0x10  }
.LBB2_31:
0xd5: {  	p0 =	sne.s32 s4, $0x3F0;
	_ =	sdelay $0x1  }
.Ltmp15:
0xd6: {  	v7 =	vor.u32 s2, v0;
	s2 =	smov.u32 s4;
	(pc) =	sbr.rel @p0 .LBB2_31-.Ltmp15, $4  }
0xd7: {  	vm9 =	veq.s32 v7, v5  }
0xd8: {  	v6 =	vsel vm9, $0xFF61B1E6, v6  }
0xd9: {  	[tilespmem:s30+$0x0] =	vst v6;
	s30 =	sadd.s32 $0x10, s30  }
0xda: {  	s4 =	sadd.s32 $0x10, s4;
	v6 =	vld [tilespmem:s30+$0x0]  }
0xdb: {  	_ =	sdelay $0x1  }
0xdc: {  	v7 =	vor.u32 s2, v0  }
0xdd: {  	vm9 =	veq.s32 v7, v5  }
0xde: {  	v6 =	vsel vm9, $0xFF61B1E6, v6  }
0xdf: {  	s4 =	simm.s32 $0x0;
	[tilespmem:s30+$0x0] =	vst v6  }
0xe0: {  	s2 =	simm.s32 $0x40;
	v6 =	vimm.f32 $-3.000000010e+38;
	v7 =	vld [tilespmem:s4+$0x0]  }
.LBB2_33:
0xe1: {  	p0 =	sne.s32 s2, $0xFC0  }
.Ltmp16:
0xe2: {  	_ = 	snop;
	(pc) =	sbr.rel @p0 .LBB2_33-.Ltmp16, $3  }
0xe3: {  	_ =	sdelay $0x1  }
0xe4: {  	s4 =	sshra.s32 s2, $0x2;
	s2 =	sadd.s32 $0x40, s2;
	v6 =	vmax.f32 v6, v7  }
0xe5: {  	v7 =	vld [tilespmem:s4+$0x0]  }
0xe6: {  	_ =	sdelay $0x3  }
0xe7: {  	v6 =	vmax.f32 v6, v7  }
0xe8: {  	(xrf0) =	vmax.scan.msk.f32 $0xffff, v6;
	_ =	sdelay $0x2  }
0xe9: {  	s4 =	simm.s32 $0x0  }
0xea: {  	v8 =	vld [tilespmem:s4+$0x0];
	_ =	sdelay $0x1  }
0xeb: {  	v6, _, _ =	vpop (xrf0)  }
0xec: {  	v7 =	vbroadcast v6, $0xF;
	_ =	sdelay $0x1  }
0xed: {  	s2 =	simm.s32 $0x10;
	v6 =	vimm.s32 $0x400;
	vm9 =	veq.f32 v8, v7;
	v8 =	vor.u32 s4, v0;
	s4 =	simm.s32 $0x10  }
.LBB2_35:
0xee: {  	v9 =	vld [tilespmem:s4+$0x0];
	p0 =	sne.s32 s2, $0x3F0;
	v8 =	vnsel vm9, $0x400, v8;
	s30 =	smov.u32 s2;
	s2 =	sadd.s32 $0x10, s2  }
.Ltmp17:
0xef: {  	vm9 =	vlt.s32 v6, v8;
	(pc) =	sbr.rel @p0 .LBB2_35-.Ltmp17, $2  }
0xf0: {  	v6 =	vsel vm9, v6, v8;
	_ =	sdelay $0x2  }
0xf1: {  	s4 =	sadd.s32 $0x10, s4;
	v8 =	vor.u32 s30, v0;
	vm9 =	veq.f32 v9, v7  }
0xf2: {  	v7 =	vnsel vm9, $0x400, v8  }
0xf3: {  	vm9 =	vlt.s32 v6, v7  }
0xf4: {  	v6 =	vsel vm9, v6, v7  }
0xf5: {  	v6 =	vxor.u32 $0x80000000, v6  }
0xf6: {  	(xrf0) =	vmin.scan.msk.u32 $0xffff, v6;
	_ =	sdelay $0x5  }
0xf7: {  	v6, _, _ =	vpop (xrf0)  }
0xf8: {  	(v2sf) =	vpush v6, $0xF;
	_ =	sdelay $0xe  }
0xf9: {  	s2 =	spop (v2sf)  }
0xfa: {  	s4 =	sxor.u32 $0x80000000, s2;
	s2 =	simm.s32 $0x0  }
0xfb: {  	s30 =	simm.s32 $0x0;
	v6 =	vmov s4;
	v7 =	vld [tilespmem:s2+$0x0];
	s4 =	simm.s32 $0x10  }
.LBB2_37:
0xfc: {  	p0 =	sne.s32 s4, $0x3F0;
	_ =	sdelay $0x1  }
.Ltmp18:
0xfd: {  	v8 =	vor.u32 s2, v0;
	s2 =	smov.u32 s4;
	(pc) =	sbr.rel @p0 .LBB2_37-.Ltmp18, $4  }
0xfe: {  	vm9 =	veq.s32 v8, v6  }
0xff: {  	v7 =	vsel vm9, $0xFF61B1E6, v7  }
0x100: {  	[tilespmem:s30+$0x0] =	vst v7;
	s30 =	sadd.s32 $0x10, s30  }
0x101: {  	s4 =	sadd.s32 $0x10, s4;
	v7 =	vld [tilespmem:s30+$0x0]  }
0x102: {  	_ =	sdelay $0x1  }
0x103: {  	v8 =	vor.u32 s2, v0  }
0x104: {  	vm9 =	veq.s32 v8, v6  }
0x105: {  	v7 =	vsel vm9, $0xFF61B1E6, v7  }
0x106: {  	s4 =	simm.s32 $0x0;
	[tilespmem:s30+$0x0] =	vst v7  }
0x107: {  	s2 =	simm.s32 $0x40;
	v7 =	vimm.f32 $-3.000000010e+38;
	v8 =	vld [tilespmem:s4+$0x0]  }
.LBB2_39:
0x108: {  	p0 =	sne.s32 s2, $0xFC0  }
.Ltmp19:
0x109: {  	_ = 	snop;
	(pc) =	sbr.rel @p0 .LBB2_39-.Ltmp19, $3  }
0x10a: {  	_ =	sdelay $0x1  }
0x10b: {  	s4 =	sshra.s32 s2, $0x2;
	s2 =	sadd.s32 $0x40, s2;
	v7 =	vmax.f32 v7, v8  }
0x10c: {  	v8 =	vld [tilespmem:s4+$0x0]  }
0x10d: {  	_ =	sdelay $0x3  }
0x10e: {  	v7 =	vmax.f32 v7, v8  }
0x10f: {  	(xrf0) =	vmax.scan.msk.f32 $0xffff, v7;
	_ =	sdelay $0x2  }
0x110: {  	s4 =	simm.s32 $0x0  }
0x111: {  	v9 =	vld [tilespmem:s4+$0x0];
	_ =	sdelay $0x1  }
0x112: {  	v7, _, _ =	vpop (xrf0)  }
0x113: {  	v8 =	vbroadcast v7, $0xF;
	_ =	sdelay $0x1  }
0x114: {  	s2 =	simm.s32 $0x10;
	v7 =	vimm.s32 $0x400;
	vm9 =	veq.f32 v9, v8;
	v9 =	vor.u32 s4, v0;
	s4 =	simm.s32 $0x10  }
.LBB2_41:
0x115: {  	v10 =	vld [tilespmem:s4+$0x0];
	p0 =	sne.s32 s2, $0x3F0;
	v9 =	vnsel vm9, $0x400, v9;
	s30 =	smov.u32 s2;
	s2 =	sadd.s32 $0x10, s2  }
.Ltmp20:
0x116: {  	vm9 =	vlt.s32 v7, v9;
	(pc) =	sbr.rel @p0 .LBB2_41-.Ltmp20, $2  }
0x117: {  	v7 =	vsel vm9, v7, v9;
	_ =	sdelay $0x2  }
0x118: {  	s4 =	sadd.s32 $0x10, s4;
	v9 =	vor.u32 s30, v0;
	vm9 =	veq.f32 v10, v8  }
0x119: {  	v8 =	vnsel vm9, $0x400, v9  }
0x11a: {  	vm9 =	vlt.s32 v7, v8  }
0x11b: {  	v7 =	vsel vm9, v7, v8  }
0x11c: {  	v7 =	vxor.u32 $0x80000000, v7  }
0x11d: {  	(xrf0) =	vmin.scan.msk.u32 $0xffff, v7;
	_ =	sdelay $0x5  }
0x11e: {  	v7, _, _ =	vpop (xrf0)  }
0x11f: {  	(v2sf) =	vpush v7, $0xF;
	_ =	sdelay $0xe  }
0x120: {  	s2 =	spop (v2sf)  }
0x121: {  	s4 =	sxor.u32 $0x80000000, s2;
	s2 =	simm.s32 $0x0  }
0x122: {  	s30 =	simm.s32 $0x0;
	v7 =	vmov s4;
	v8 =	vld [tilespmem:s2+$0x0];
	s4 =	simm.s32 $0x10  }
.LBB2_43:
0x123: {  	p0 =	sne.s32 s4, $0x3F0;
	_ =	sdelay $0x1  }
.Ltmp21:
0x124: {  	v9 =	vor.u32 s2, v0;
	s2 =	smov.u32 s4;
	(pc) =	sbr.rel @p0 .LBB2_43-.Ltmp21, $4  }
0x125: {  	vm9 =	veq.s32 v9, v7  }
0x126: {  	v8 =	vsel vm9, $0xFF61B1E6, v8  }
0x127: {  	[tilespmem:s30+$0x0] =	vst v8;
	s30 =	sadd.s32 $0x10, s30  }
0x128: {  	s4 =	sadd.s32 $0x10, s4;
	v8 =	vld [tilespmem:s30+$0x0]  }
0x129: {  	_ =	sdelay $0x1  }
0x12a: {  	v9 =	vor.u32 s2, v0  }
0x12b: {  	vm9 =	veq.s32 v9, v7  }
0x12c: {  	v8 =	vsel vm9, $0xFF61B1E6, v8  }
0x12d: {  	s4 =	simm.s32 $0x0;
	[tilespmem:s30+$0x0] =	vst v8  }
0x12e: {  	s2 =	simm.s32 $0x40;
	v8 =	vimm.f32 $-3.000000010e+38;
	v9 =	vld [tilespmem:s4+$0x0]  }
.LBB2_45:
0x12f: {  	p0 =	sne.s32 s2, $0xFC0  }
.Ltmp22:
0x130: {  	_ = 	snop;
	(pc) =	sbr.rel @p0 .LBB2_45-.Ltmp22, $3  }
0x131: {  	_ =	sdelay $0x1  }
0x132: {  	s4 =	sshra.s32 s2, $0x2;
	s2 =	sadd.s32 $0x40, s2;
	v8 =	vmax.f32 v8, v9  }
0x133: {  	v9 =	vld [tilespmem:s4+$0x0]  }
0x134: {  	_ =	sdelay $0x3  }
0x135: {  	v8 =	vmax.f32 v8, v9  }
0x136: {  	(xrf0) =	vmax.scan.msk.f32 $0xffff, v8;
	_ =	sdelay $0x2  }
0x137: {  	s4 =	simm.s32 $0x0  }
0x138: {  	v10 =	vld [tilespmem:s4+$0x0];
	_ =	sdelay $0x1  }
0x139: {  	v8, _, _ =	vpop (xrf0)  }
0x13a: {  	v9 =	vbroadcast v8, $0xF;
	_ =	sdelay $0x1  }
0x13b: {  	s2 =	simm.s32 $0x10;
	v8 =	vimm.s32 $0x400;
	vm9 =	veq.f32 v10, v9;
	v10 =	vor.u32 s4, v0;
	s4 =	simm.s32 $0x10  }
.LBB2_47:
0x13c: {  	v11 =	vld [tilespmem:s4+$0x0];
	p0 =	sne.s32 s2, $0x3F0;
	v10 =	vnsel vm9, $0x400, v10;
	s30 =	smov.u32 s2;
	s2 =	sadd.s32 $0x10, s2  }
.Ltmp23:
0x13d: {  	vm9 =	vlt.s32 v8, v10;
	(pc) =	sbr.rel @p0 .LBB2_47-.Ltmp23, $2  }
0x13e: {  	v8 =	vsel vm9, v8, v10;
	_ =	sdelay $0x2  }
0x13f: {  	s4 =	sadd.s32 $0x10, s4;
	v10 =	vor.u32 s30, v0;
	vm9 =	veq.f32 v11, v9  }
0x140: {  	v9 =	vnsel vm9, $0x400, v10  }
0x141: {  	vm9 =	vlt.s32 v8, v9  }
0x142: {  	v8 =	vsel vm9, v8, v9  }
0x143: {  	v8 =	vxor.u32 $0x80000000, v8  }
0x144: {  	(xrf0) =	vmin.scan.msk.u32 $0xffff, v8;
	_ =	sdelay $0x5  }
0x145: {  	v8, _, _ =	vpop (xrf0)  }
0x146: {  	(v2sf) =	vpush v8, $0xF;
	_ =	sdelay $0xe  }
0x147: {  	s2 =	spop (v2sf)  }
0x148: {  	s4 =	sxor.u32 $0x80000000, s2;
	s2 =	simm.s32 $0x0  }
0x149: {  	s30 =	simm.s32 $0x0;
	v8 =	vmov s4;
	v9 =	vld [tilespmem:s2+$0x0];
	s4 =	simm.s32 $0x10  }
.LBB2_49:
0x14a: {  	p0 =	sne.s32 s4, $0x3F0;
	_ =	sdelay $0x1  }
.Ltmp24:
0x14b: {  	v10 =	vor.u32 s2, v0;
	s2 =	smov.u32 s4;
	(pc) =	sbr.rel @p0 .LBB2_49-.Ltmp24, $4  }
0x14c: {  	vm9 =	veq.s32 v10, v8  }
0x14d: {  	v9 =	vsel vm9, $0xFF61B1E6, v9  }
0x14e: {  	[tilespmem:s30+$0x0] =	vst v9;
	s30 =	sadd.s32 $0x10, s30  }
0x14f: {  	s4 =	sadd.s32 $0x10, s4;
	v9 =	vld [tilespmem:s30+$0x0]  }
0x150: {  	v10 =	vnsel vm0, $0x3FF, v1  }
0x151: {  	v10 =	vsel vm1, v10, v2  }
0x152: {  	v10 =	vsel vm2, v10, v3  }
0x153: {  	v10 =	vsel vm3, v10, v4  }
0x154: {  	v10 =	vsel vm4, v10, v5  }
0x155: {  	v10 =	vsel vm5, v10, v6  }
0x156: {  	v10 =	vsel vm6, v10, v7  }
0x157: {  	v10 =	vsel vm7, v10, v8  }
0x158: {  	v11 =	vor.u32 s2, v0  }
0x159: {  	vm9 =	veq.s32 v11, v8  }
0x15a: {  	v9 =	vsel vm9, $0xFF61B1E6, v9  }
0x15b: {  	[tilespmem:s30+$0x0] =	vst v9  }
0x15c: {  	v9 =	vld.idx.msk [tilespmem:v10+s28+$0x0], $0xffff;
	_ =	sdelay $0x4  }
0x15d: {  	v9 =	vmul.f32 $1.442695020e+00, v9;
	_ =	sdelay $0x1  }
0x15e: {  	(erf) = vpow2.f32 v9  }
0x15f: {  	v1 =	vnsel vm0, $0x0, v1  }
0x160: {  	v1 =	vsel vm1, v1, v2  }
0x161: {  	v1 =	vsel vm2, v1, v3  }
0x162: {  	v1 =	vsel vm3, v1, v4  }
0x163: {  	v1 =	vsel vm4, v1, v5  }
0x164: {  	v1 =	vsel vm5, v1, v6  }
0x165: {  	v1 =	vsel vm6, v1, v7  }
0x166: {  	v1 =	vsel vm7, v1, v8  }
0x167: {  	[tilespmem:$0x800] =	vst v1;
	v2 =	vpop (erf)  }
0x168: {  	s2 =	rddreg [dreg:$0x1];
	s4 =	simm.s32 $0x10;
	s30 =	simm.s32 $0x800;
	[tilespmem:$0x11080] =	vst v2  }
0x169: {  	[tilespmem:s31], [sflag:$0x1] =	stream.indirect.gather [hbm4b:s2+s4], $0x80, s30, s4, $0xb8;
	[tilespmem:$0x11100] =	vst v63  }
0x16a: {  	_ =	swait.ge [sflag:s1], $0x800  }
0x16b: {  	[sflag:s1] =	ssyncset.done $0x0  }
0x16c: {  	[sflag:s1] =	ssyncadd.s32 $0xFFFFF800  }
0x16d: {  	v1 =	vld [tilespmem:$0x800];
	_ =	sdelay $0x4  }
0x16e: {  	v2 =	vshll.u32 v1, $0x5  }
0x16f: {  	v1 =	vand.u32 $0x7, v1;
	v2 =	vand.u32 $0xFFFFFF00, v2  }
0x170: {  	v3 =	vshrl.u32 v0, $0x3;
	v1 =	vor.u32 v1, v2;
	v2 =	vand.u32 $0x7, v0  }
0x171: {  	v3 =	vmul.u32 $0x8, v3;
	v2 =	vperm.xlane v1, v2;
	_ =	sdelay $0x1  }
0x172: {  	v2 =	vadd.s32 v3, v2;
	_ =	sdelay $0x4  }
0x173: {  	[tilespmem:s0], [sflag:$0x1] =	stream.indirect_vreg.gather [hbm4b:s3+s25], $0x80, v2, vm8, $0xb8;
	[tilespmem:$0x11100] =	vst v63  }
0x174: {  	s4 =	simm.s32 $0x1880  }
0x175: {  	[tilespmem:s4], [sflag:$0x1] =	stream.indirect_vreg.gather [hbm4b:s10+s25], $0x80, v2, vm8, $0xb8;
	[tilespmem:$0x11100] =	vst v63  }
0x176: {  	s30 =	simm.s32 $0x2080  }
0x177: {  	[tilespmem:s30], [sflag:$0x1] =	stream.indirect_vreg.gather [hbm4b:s11+s25], $0x80, v2, vm8, $0xb8;
	[tilespmem:$0x11100] =	vst v63  }
0x178: {  	s4 =	simm.s32 $0x2880  }
0x179: {  	[tilespmem:s4], [sflag:$0x1] =	stream.indirect_vreg.gather [hbm4b:s12+s25], $0x80, v2, vm8, $0xb8;
	[tilespmem:$0x11100] =	vst v63  }
0x17a: {  	s30 =	simm.s32 $0x3080  }
0x17b: {  	[tilespmem:s30], [sflag:$0x1] =	stream.indirect_vreg.gather [hbm4b:s13+s25], $0x80, v2, vm8, $0xb8;
	[tilespmem:$0x11100] =	vst v63  }
0x17c: {  	s4 =	simm.s32 $0x3880  }
0x17d: {  	[tilespmem:s4], [sflag:$0x1] =	stream.indirect_vreg.gather [hbm4b:s14+s25], $0x80, v2, vm8, $0xb8;
	[tilespmem:$0x11100] =	vst v63  }
0x17e: {  	s30 =	simm.s32 $0x4080  }
0x17f: {  	[tilespmem:s30], [sflag:$0x1] =	stream.indirect_vreg.gather [hbm4b:s15+s25], $0x80, v2, vm8, $0xb8;
	[tilespmem:$0x11100] =	vst v63  }
0x180: {  	s4 =	simm.s32 $0x4880  }
0x181: {  	[tilespmem:s4], [sflag:$0x1] =	stream.indirect_vreg.gather [hbm4b:s16+s25], $0x80, v2, vm8, $0xb8;
	[tilespmem:$0x11100] =	vst v63  }
0x182: {  	s30 =	simm.s32 $0x5080  }
0x183: {  	[tilespmem:s30], [sflag:$0x1] =	stream.indirect_vreg.gather [hbm4b:s17+s25], $0x80, v2, vm8, $0xb8;
	[tilespmem:$0x11100] =	vst v63  }
0x184: {  	s4 =	simm.s32 $0x5880  }
0x185: {  	[tilespmem:s4], [sflag:$0x1] =	stream.indirect_vreg.gather [hbm4b:s18+s25], $0x80, v2, vm8, $0xb8;
	[tilespmem:$0x11100] =	vst v63  }
0x186: {  	s30 =	simm.s32 $0x6080  }
0x187: {  	[tilespmem:s30], [sflag:$0x1] =	stream.indirect_vreg.gather [hbm4b:s19+s25], $0x80, v2, vm8, $0xb8;
	[tilespmem:$0x11100] =	vst v63  }
0x188: {  	s4 =	simm.s32 $0x6880  }
0x189: {  	[tilespmem:s4], [sflag:$0x1] =	stream.indirect_vreg.gather [hbm4b:s20+s25], $0x80, v2, vm8, $0xb8;
	[tilespmem:$0x11100] =	vst v63  }
0x18a: {  	s30 =	simm.s32 $0x7080  }
0x18b: {  	v63 =	vor.u32 $0x8, v0;
	[tilespmem:s30], [sflag:$0x1] =	stream.indirect_vreg.gather [hbm4b:s21+s25], $0x80, v2, vm8, $0xb8;
	[tilespmem:$0x11100] =	vst v63  }
0x18c: {  	v1 =	vperm.xlane v1, v63;
	s4 =	simm.s32 $0x7880  }
0x18d: {  	[tilespmem:s4], [sflag:$0x1] =	stream.indirect_vreg.gather [hbm4b:s22+s25], $0x80, v2, vm8, $0xb8;
	[tilespmem:$0x11100] =	vst v63  }
0x18e: {  	v1 =	vadd.s32 v3, v1;
	s30 =	simm.s32 $0x8080  }
0x18f: {  	[tilespmem:s30], [sflag:$0x1] =	stream.indirect_vreg.gather [hbm4b:s23+s25], $0x80, v2, vm8, $0xb8;
	[tilespmem:$0x11100] =	vst v63  }
0x190: {  	s4 =	simm.s32 $0x8880  }
0x191: {  	[tilespmem:s4], [sflag:$0x1] =	stream.indirect_vreg.gather [hbm4b:s24+s25], $0x80, v2, vm8, $0xb8;
	[tilespmem:$0x11100] =	vst v63  }
0x192: {  	s30 =	simm.s32 $0x9080  }
0x193: {  	[tilespmem:s30], [sflag:$0x1] =	stream.indirect_vreg.gather [hbm4b:s3+s25], $0x80, v1, vm8, $0xb8;
	[tilespmem:$0x11100] =	vst v63  }
0x194: {  	s4 =	simm.s32 $0x9880  }
0x195: {  	[tilespmem:s4], [sflag:$0x1] =	stream.indirect_vreg.gather [hbm4b:s10+s25], $0x80, v1, vm8, $0xb8;
	[tilespmem:$0x11100] =	vst v63  }
0x196: {  	s30 =	simm.s32 $0xA080  }
0x197: {  	[tilespmem:s30], [sflag:$0x1] =	stream.indirect_vreg.gather [hbm4b:s11+s25], $0x80, v1, vm8, $0xb8;
	[tilespmem:$0x11100] =	vst v63  }
0x198: {  	s4 =	simm.s32 $0xA880  }
0x199: {  	[tilespmem:s4], [sflag:$0x1] =	stream.indirect_vreg.gather [hbm4b:s12+s25], $0x80, v1, vm8, $0xb8;
	[tilespmem:$0x11100] =	vst v63  }
0x19a: {  	s30 =	simm.s32 $0xB080  }
0x19b: {  	[tilespmem:s30], [sflag:$0x1] =	stream.indirect_vreg.gather [hbm4b:s13+s25], $0x80, v1, vm8, $0xb8;
	[tilespmem:$0x11100] =	vst v63  }
0x19c: {  	s4 =	simm.s32 $0xB880  }
0x19d: {  	[tilespmem:s4], [sflag:$0x1] =	stream.indirect_vreg.gather [hbm4b:s14+s25], $0x80, v1, vm8, $0xb8;
	[tilespmem:$0x11100] =	vst v63  }
0x19e: {  	s30 =	simm.s32 $0xC080  }
0x19f: {  	[tilespmem:s30], [sflag:$0x1] =	stream.indirect_vreg.gather [hbm4b:s15+s25], $0x80, v1, vm8, $0xb8;
	[tilespmem:$0x11100] =	vst v63  }
0x1a0: {  	s4 =	simm.s32 $0xC880  }
0x1a1: {  	[tilespmem:s4], [sflag:$0x1] =	stream.indirect_vreg.gather [hbm4b:s16+s25], $0x80, v1, vm8, $0xb8;
	[tilespmem:$0x11100] =	vst v63  }
0x1a2: {  	s30 =	simm.s32 $0xD080  }
0x1a3: {  	[tilespmem:s30], [sflag:$0x1] =	stream.indirect_vreg.gather [hbm4b:s17+s25], $0x80, v1, vm8, $0xb8;
	[tilespmem:$0x11100] =	vst v63  }
0x1a4: {  	s4 =	simm.s32 $0xD880  }
0x1a5: {  	[tilespmem:s4], [sflag:$0x1] =	stream.indirect_vreg.gather [hbm4b:s18+s25], $0x80, v1, vm8, $0xb8;
	[tilespmem:$0x11100] =	vst v63  }
0x1a6: {  	s30 =	simm.s32 $0xE080  }
0x1a7: {  	[tilespmem:s30], [sflag:$0x1] =	stream.indirect_vreg.gather [hbm4b:s19+s25], $0x80, v1, vm8, $0xb8;
	[tilespmem:$0x11100] =	vst v63  }
0x1a8: {  	s4 =	simm.s32 $0xE880  }
0x1a9: {  	[tilespmem:s4], [sflag:$0x1] =	stream.indirect_vreg.gather [hbm4b:s20+s25], $0x80, v1, vm8, $0xb8;
	[tilespmem:$0x11100] =	vst v63  }
0x1aa: {  	s30 =	simm.s32 $0xF080  }
0x1ab: {  	[tilespmem:s30], [sflag:$0x1] =	stream.indirect_vreg.gather [hbm4b:s21+s25], $0x80, v1, vm8, $0xb8;
	[tilespmem:$0x11100] =	vst v63  }
0x1ac: {  	s4 =	simm.s32 $0xF880  }
0x1ad: {  	[tilespmem:s4], [sflag:$0x1] =	stream.indirect_vreg.gather [hbm4b:s22+s25], $0x80, v1, vm8, $0xb8;
	[tilespmem:$0x11100] =	vst v63  }
0x1ae: {  	s30 =	simm.s32 $0x10080  }
0x1af: {  	[tilespmem:s30], [sflag:$0x1] =	stream.indirect_vreg.gather [hbm4b:s23+s25], $0x80, v1, vm8, $0xb8;
	[tilespmem:$0x11100] =	vst v63  }
0x1b0: {  	s4 =	simm.s32 $0x10880  }
0x1b1: {  	[tilespmem:s4], [sflag:$0x1] =	stream.indirect_vreg.gather [hbm4b:s24+s25], $0x80, v1, vm8, $0xb8;
	[tilespmem:$0x11100] =	vst v63  }
0x1b2: {  	_ =	swait.ge [sflag:s1], $0x10000  }
0x1b3: {  	[sflag:s1] =	ssyncset.done $0x0  }
0x1b4: {  	[sflag:s1] =	ssyncadd.s32 $0xFFFF0000  }
0x1b5: {  	[hbm4b:s6+s25] =	stream.linear.scatter [tilespmem:s31], [sflag:$0x2], $0x800, $0x38;
	[tilespmem:$0x11100] =	vst v63  }
0x1b6: {  	_ =	swait.ge [sflag:s26], $0x800  }
0x1b7: {  	[sflag:s26] =	ssyncset.done $0x0  }
0x1b8: {  	[sflag:s26] =	ssyncadd.s32 $0xFFFFF800  }
0x1b9: {  	[hbm4b:s7+s25] =	stream.linear.scatter [tilespmem:s0], [sflag:$0x2], $0x10000, $0x38;
	[tilespmem:$0x11100] =	vst v63  }
0x1ba: {  	s29 =	sadd.s32 $0x1, s29;
	_ =	swait.ge [sflag:s26], $0x10000  }
0x1bb: {  	p0 =	sne.s32 s29, s9;
	[sflag:s26] =	ssyncset.done $0x0  }
.Ltmp25:
0x1bc: {  	s30 =	simm.s32 $0x11080;
	[sflag:s26] =	ssyncadd.s32 $0xFFFF0000;
	(pc) =	sbr.rel @p0 .LBB2_2-.Ltmp25, $4  }
0x1bd: {  	[hbm4b:s8+s25] =	stream.linear.scatter [tilespmem:s30], [sflag:$0x2], $0x80, $0x38;
	[tilespmem:$0x11100] =	vst v63  }
0x1be: {  	_ =	swait.ge [sflag:s26], $0x80  }
0x1bf: {  	[sflag:s26] =	ssyncset.done $0x0  }
0x1c0: {  	[sflag:s26] =	ssyncadd.s32 $0xFFFFFF80  }
.LBB2_51:
0x1c1: {  	_ =	sfence.sel $0x180000  }
0x1c2: {  	[bflag:$0x0] =	sbarrier.arrive $0xFFFF  }
0x1c3: {  	_ =	strace $0x90000047  }
0x1c4: {  	s0 =	stileid.u32;
	[bflag:$0x2] =	sbarrier.arrive $0xFFFF  }
0x1c5: {  	p0 =	sne.s32 s0, $0x0;
	s0 =	rddreg [dreg:$0x3]  }
0x1c6: {  	s0 =	sadd.s32 @!p0 $0x100000, s0  }
0x1c7: {  	[sflag:s0] =	ssyncadd.tile.s32 @!p0 $0x1;
	_ =	shalt  }
.Lfunc_end2:
_tile_overlayer_lowered:
.L_overlay_start_2:
0x1c8: {  	(tag) =	ssettag $0x2  }
0x1c9: {  	s0 =	rddreg [dreg:$0x0];
	s2 =	stileid.u32  }
0x1ca: {  	s1 =	rddreg [dreg:$0x1];
	p0 =	sne.s32 s2, $0x0  }
0x1cb: {  	s3 =	rddreg [dreg:$0x2];
	[bflag:$0x3] =	sbarrier.arrive $0xFFFF;
	s2 =	simm.s32 @!p0 $0x1C02  }
0x1cc: {  	[timem:s3], [sflag:s2] =	dma.local @!p0 [hbm:s0], s1  }
0x1cd: {  	s0 =	simm.s32 @!p0 $0x2  }
0x1ce: {  	_ =	swait.ge @!p0 [sflag:s0], s1  }
0x1cf: {  	s1 =	ssub.s32 @!p0 $0x0, s1;
	[sflag:s0] =	ssyncset.done @!p0 $0x0  }
0x1d0: {  	[sflag:s0] =	ssyncadd.s32 @!p0 s1  }
0x1d1: {  	[bflag:$0x3] =	sbarrier.arrive $0xFFFF  }
0x1d2: {  	_ =	shalt  }

</sc_bundles>
